<compile_context>
chip_gen: v7x
topology: tpu7x:2x2x1
jax: 0.10.2.dev20260603
libtpu: 0.0.44.dev20260713+nightly
codegen_flags: <defaults>
</compile_context>

<pallas_src>
import functools

import jax
import jax.numpy as jnp
from jax import lax
from jax.experimental import pallas as pl
from jax.experimental.pallas import tpu as pltpu
from jax.experimental.pallas import tpu_sc as plsc

B = 1024
L = 200
DIM = 64
N = B * L
NW = 32
PER_W = N // NW
CHUNK = 128
NCHUNK = PER_W // CHUNK
NBUF = 5
NT = NCHUNK // NBUF


def _gather_body(ids_ref, table_ref, out_ref, idx_v, bufs, gsem, wsem):
    wid = lax.axis_index("s") * 2 + lax.axis_index("c")
    chunk0 = wid * NCHUNK
    pltpu.sync_copy(ids_ref.at[wid], idx_v)

    def fire_gather(c, b):
        pltpu.async_copy(table_ref.at[idx_v.at[c]], bufs.at[b], gsem.at[b])

    def fire_write(c, b):
        pltpu.async_copy(
            bufs.at[b],
            out_ref.at[pl.ds((chunk0 + c) * CHUNK, CHUNK), pl.ds(0, DIM)],
            wsem.at[b])

    def wait_gather(b):
        pltpu.make_async_copy(
            table_ref.at[idx_v.at[0]], bufs.at[b], gsem.at[b]).wait()

    def wait_write(b):
        pltpu.make_async_copy(
            bufs.at[b], out_ref.at[pl.ds(0, CHUNK), pl.ds(0, DIM)],
            wsem.at[b]).wait()

    for b in range(NBUF):
        fire_gather(b, b)

    def turn(t, _):
        for b in range(NBUF):
            c = t * NBUF + b
            wait_gather(b)
            fire_write(c, b)
            wait_write(b)
            fire_gather(c + NBUF, b)
        return _

    lax.fori_loop(0, NT - 1, turn, 0)

    for b in range(NBUF):
        c = (NT - 1) * NBUF + b
        wait_gather(b)
        fire_write(c, b)
    for b in range(NBUF):
        wait_write(b)


@jax.jit
def _sc_gather(ids3d, table):
    mesh = plsc.VectorSubcoreMesh(core_axis_name="c", subcore_axis_name="s")
    return pl.kernel(
        _gather_body,
        out_type=jax.ShapeDtypeStruct((N, 128), jnp.float32),
        mesh=mesh,
        scratch_types=[
            pltpu.VMEM((NCHUNK, CHUNK), jnp.int32),
            pltpu.VMEM((NBUF, CHUNK, DIM), jnp.float32),
            pltpu.SemaphoreType.DMA((NBUF,)),
            pltpu.SemaphoreType.DMA((NBUF,)),
        ],
        compiler_params=pltpu.CompilerParams(use_tc_tiling_on_sc=False),
    )(ids3d, table)


def kernel(input_ids, attention_mask, table):
    ids3d = input_ids.reshape(NW, NCHUNK, CHUNK).astype(jnp.int32)
    out128 = _sc_gather(ids3d, table)
    return (out128[:, :DIM].reshape(B, L, DIM), attention_mask)

# --- scband reference (transcript-rebuilt; emitter-appended) ---
"""Pipeline reference for scband-word-llama-embedding-30073361007086 (READ-ONLY COPY).

The authoritative reference and input builder live on the scoring server;
editing this copy changes nothing except your own understanding.
"""

import jax, jax.numpy as jnp
import numpy as np

N_VOCAB = 1000000
DIM = 64
B = 1024
L = 200

def setup_inputs(seed: int = 0) -> dict:
    key = jax.random.key(seed)
    k1, k2 = jax.random.split(key)
    input_ids = jax.random.randint(k1, (B, L), 0, N_VOCAB, dtype=jnp.int64 if jax.config.jax_enable_x64 else jnp.int32)
    attention_mask = jnp.ones((B, L), dtype=jnp.float32)
    table = jax.random.normal(k2, (N_VOCAB, DIM), dtype=jnp.float32) * 0.02
    return {"input_ids": input_ids, "attention_mask": attention_mask, "table": table}

def reference(input_ids, attention_mask, table):
    # Faithful translation of WordLlamaEmbedding.forward:
    # returns {'token_embeddings': embedding(input_ids), 'attention_mask': attention_mask}
    token_embeddings = jnp.take(table, input_ids, axis=0)
    return (token_embeddings, attention_mask)

if __name__ == "__main__":
    import jax
    _d = setup_inputs()
    print(jax.jit(kernel)(*tuple(_d.values())))

</pallas_src>

<mosaic_0001>
#map = affine_map<(d0, d1) -> (0, 0, 0)>
#map1 = affine_map<(d0, d1) -> (0, 0)>
module attributes {stable_mosaic.version = 14 : i64} {
  func.func @_gather_body(%arg0: i32, %arg1: i32, %arg2: memref<32x50x128xi32, #tpu.memory_space<hbm>>, %arg3: memref<1000000x64xf32, #tpu.memory_space<hbm>>, %arg4: memref<204800x128xf32, #tpu.memory_space<hbm>>, %arg5: memref<50x128xi32, #tpu.memory_space<vmem>>, %arg6: memref<5x128x64xf32, #tpu.memory_space<vmem>>, %arg7: memref<5x!tpu.dma_semaphore, #tpu.memory_space<semaphore_mem>>, %arg8: memref<5x!tpu.dma_semaphore, #tpu.memory_space<semaphore_mem>>) attributes {dimension_semantics = [#tpu.dimension_semantics<core_parallel>, #tpu.dimension_semantics<subcore_parallel>], iteration_bounds = array<i64: 2, 16>, scalar_prefetch = 0 : i64, scratch_operands = 4 : i64, tpu.core_type = #tpu.core_type<sc_vector_subcore>, window_params = [{transform_indices = #map}, {transform_indices = #map1}, {transform_indices = #map1}]} {
    %mul3A = arith.constant 2 : i32
    %mul3A_0 = arith.muli %arg1, %mul3A : i32
    %add3A = arith.addi %mul3A_0, %arg0 : i32
    %mul3A_1 = arith.constant 50 : i32
    %mul3A_2 = arith.muli %add3A, %mul3A_1 : i32
    "tpu.region"() ({
      %run_scoped3A = tpu.sem_alloc : memref<!tpu.dma_semaphore, #tpu.memory_space<semaphore_mem>>
      %dma_start3A_346 = arith.constant 0 : i32
      %dma_start3A_347 = arith.constant 0 : i32
      %dma_start3A_348 = tpu.memref_slice %arg2[%add3A, %dma_start3A_346, %dma_start3A_347] : memref<32x50x128xi32, #tpu.memory_space<hbm>> -> memref<1x50x128xi32, #tpu.memory_space<hbm>>
      %dma_start3A_349 = tpu.memref_squeeze %dma_start3A_348 : memref<1x50x128xi32, #tpu.memory_space<hbm>> -> memref<50x128xi32, #tpu.memory_space<hbm>>
      %dma_start3A_350 = arith.constant 0 : i32
      %dma_start3A_351 = arith.constant 0 : i32
      %dma_start3A_352 = tpu.memref_slice %arg2[%add3A, %dma_start3A_350, %dma_start3A_351] : memref<32x50x128xi32, #tpu.memory_space<hbm>> -> memref<1x50x128xi32, #tpu.memory_space<hbm>>
      %dma_start3A_353 = tpu.memref_squeeze %dma_start3A_352 : memref<1x50x128xi32, #tpu.memory_space<hbm>> -> memref<50x128xi32, #tpu.memory_space<hbm>>
      tpu.enqueue_dma source(%dma_start3A_353 : memref<50x128xi32, #tpu.memory_space<hbm>>) target(%arg5 : memref<50x128xi32, #tpu.memory_space<vmem>>) target_semaphore(%run_scoped3A : memref<!tpu.dma_semaphore, #tpu.memory_space<semaphore_mem>>)
      %dma_wait3A_354 = arith.constant 0 : i32
      %dma_wait3A_355 = arith.constant 0 : i32
      %dma_wait3A_356 = tpu.memref_slice %arg2[%add3A, %dma_wait3A_354, %dma_wait3A_355] : memref<32x50x128xi32, #tpu.memory_space<hbm>> -> memref<1x50x128xi32, #tpu.memory_space<hbm>>
      %dma_wait3A_357 = tpu.memref_squeeze %dma_wait3A_356 : memref<1x50x128xi32, #tpu.memory_space<hbm>> -> memref<50x128xi32, #tpu.memory_space<hbm>>
      %dma_wait3A_358 = arith.constant 0 : i32
      %dma_wait3A_359 = arith.constant 0 : i32
      %dma_wait3A_360 = tpu.memref_slice %arg2[%add3A, %dma_wait3A_358, %dma_wait3A_359] : memref<32x50x128xi32, #tpu.memory_space<hbm>> -> memref<1x50x128xi32, #tpu.memory_space<hbm>>
      %dma_wait3A_361 = tpu.memref_squeeze %dma_wait3A_360 : memref<1x50x128xi32, #tpu.memory_space<hbm>> -> memref<50x128xi32, #tpu.memory_space<hbm>>
      tpu.wait_dma2 semaphore(%run_scoped3A : memref<!tpu.dma_semaphore, #tpu.memory_space<semaphore_mem>>) src(%dma_wait3A_361 : memref<50x128xi32, #tpu.memory_space<hbm>>) dst(%arg5 : memref<50x128xi32, #tpu.memory_space<vmem>>)
      tpu.yield
    }) : () -> ()
    %dma_start3A = arith.constant 0 : i32
    %dma_start3A_3 = arith.constant 0 : i32
    %dma_start3A_4 = arith.constant 0 : i32
    %dma_start3A_5 = arith.constant 0 : i32
    %dma_start3A_6 = arith.constant 0 : i32
    %dma_start3A_7 = tpu.memref_slice %arg6[%dma_start3A_3, %dma_start3A_5, %dma_start3A_6] : memref<5x128x64xf32, #tpu.memory_space<vmem>> -> memref<1x128x64xf32, #tpu.memory_space<vmem>>
    %dma_start3A_8 = tpu.memref_squeeze %dma_start3A_7 : memref<1x128x64xf32, #tpu.memory_space<vmem>> -> memref<128x64xf32, #tpu.memory_space<vmem>>
    %dma_start3A_9 = arith.constant 0 : i32
    %dma_start3A_10 = tpu.memref_slice %arg5[%dma_start3A, %dma_start3A_9] : memref<50x128xi32, #tpu.memory_space<vmem>> -> memref<1x128xi32, #tpu.memory_space<vmem>>
    %dma_start3A_11 = tpu.memref_squeeze %dma_start3A_10 : memref<1x128xi32, #tpu.memory_space<vmem>> -> memref<128xi32, #tpu.memory_space<vmem>>
    %dma_start3A_12 = arith.constant 0 : i32
    %dma_start3A_13 = arith.constant 0 : i32
    %dma_start3A_14 = tpu.memref_slice %arg3[%dma_start3A_12, %dma_start3A_13] : memref<1000000x64xf32, #tpu.memory_space<hbm>> -> memref<1000000x64xf32, #tpu.memory_space<hbm>>
    %dma_start3A_15 = tpu.memref_slice %arg7[%dma_start3A_4] : memref<5x!tpu.dma_semaphore, #tpu.memory_space<semaphore_mem>> -> memref<1x!tpu.dma_semaphore, #tpu.memory_space<semaphore_mem>>
    %dma_start3A_16 = tpu.memref_squeeze %dma_start3A_15 : memref<1x!tpu.dma_semaphore, #tpu.memory_space<semaphore_mem>> -> memref<!tpu.dma_semaphore, #tpu.memory_space<semaphore_mem>>
    tpu.enqueue_indirect_dma source(%dma_start3A_14 : memref<1000000x64xf32, #tpu.memory_space<hbm>>) target(%dma_start3A_8 : memref<128x64xf32, #tpu.memory_space<vmem>>) offsets(%dma_start3A_11 : memref<128xi32, #tpu.memory_space<vmem>>) semaphore(%dma_start3A_16 : memref<!tpu.dma_semaphore, #tpu.memory_space<semaphore_mem>>)
    %dma_start3A_17 = arith.constant 1 : i32
    %dma_start3A_18 = arith.constant 1 : i32
    %dma_start3A_19 = arith.constant 1 : i32
    %dma_start3A_20 = arith.constant 0 : i32
    %dma_start3A_21 = arith.constant 0 : i32
    %dma_start3A_22 = tpu.memref_slice %arg6[%dma_start3A_18, %dma_start3A_20, %dma_start3A_21] : memref<5x128x64xf32, #tpu.memory_space<vmem>> -> memref<1x128x64xf32, #tpu.memory_space<vmem>>
    %dma_start3A_23 = tpu.memref_squeeze %dma_start3A_22 : memref<1x128x64xf32, #tpu.memory_space<vmem>> -> memref<128x64xf32, #tpu.memory_space<vmem>>
    %dma_start3A_24 = arith.constant 0 : i32
    %dma_start3A_25 = tpu.memref_slice %arg5[%dma_start3A_17, %dma_start3A_24] : memref<50x128xi32, #tpu.memory_space<vmem>> -> memref<1x128xi32, #tpu.memory_space<vmem>>
    %dma_start3A_26 = tpu.memref_squeeze %dma_start3A_25 : memref<1x128xi32, #tpu.memory_space<vmem>> -> memref<128xi32, #tpu.memory_space<vmem>>
    %dma_start3A_27 = arith.constant 0 : i32
    %dma_start3A_28 = arith.constant 0 : i32
    %dma_start3A_29 = tpu.memref_slice %arg3[%dma_start3A_27, %dma_start3A_28] : memref<1000000x64xf32, #tpu.memory_space<hbm>> -> memref<1000000x64xf32, #tpu.memory_space<hbm>>
    %dma_start3A_30 = tpu.memref_slice %arg7[%dma_start3A_19] : memref<5x!tpu.dma_semaphore, #tpu.memory_space<semaphore_mem>> -> memref<1x!tpu.dma_semaphore, #tpu.memory_space<semaphore_mem>>
    %dma_start3A_31 = tpu.memref_squeeze %dma_start3A_30 : memref<1x!tpu.dma_semaphore, #tpu.memory_space<semaphore_mem>> -> memref<!tpu.dma_semaphore, #tpu.memory_space<semaphore_mem>>
    tpu.enqueue_indirect_dma source(%dma_start3A_29 : memref<1000000x64xf32, #tpu.memory_space<hbm>>) target(%dma_start3A_23 : memref<128x64xf32, #tpu.memory_space<vmem>>) offsets(%dma_start3A_26 : memref<128xi32, #tpu.memory_space<vmem>>) semaphore(%dma_start3A_31 : memref<!tpu.dma_semaphore, #tpu.memory_space<semaphore_mem>>)
    %dma_start3A_32 = arith.constant 2 : i32
    %dma_start3A_33 = arith.constant 2 : i32
    %dma_start3A_34 = arith.constant 2 : i32
    %dma_start3A_35 = arith.constant 0 : i32
    %dma_start3A_36 = arith.constant 0 : i32
    %dma_start3A_37 = tpu.memref_slice %arg6[%dma_start3A_33, %dma_start3A_35, %dma_start3A_36] : memref<5x128x64xf32, #tpu.memory_space<vmem>> -> memref<1x128x64xf32, #tpu.memory_space<vmem>>
    %dma_start3A_38 = tpu.memref_squeeze %dma_start3A_37 : memref<1x128x64xf32, #tpu.memory_space<vmem>> -> memref<128x64xf32, #tpu.memory_space<vmem>>
    %dma_start3A_39 = arith.constant 0 : i32
    %dma_start3A_40 = tpu.memref_slice %arg5[%dma_start3A_32, %dma_start3A_39] : memref<50x128xi32, #tpu.memory_space<vmem>> -> memref<1x128xi32, #tpu.memory_space<vmem>>
    %dma_start3A_41 = tpu.memref_squeeze %dma_start3A_40 : memref<1x128xi32, #tpu.memory_space<vmem>> -> memref<128xi32, #tpu.memory_space<vmem>>
    %dma_start3A_42 = arith.constant 0 : i32
    %dma_start3A_43 = arith.constant 0 : i32
    %dma_start3A_44 = tpu.memref_slice %arg3[%dma_start3A_42, %dma_start3A_43] : memref<1000000x64xf32, #tpu.memory_space<hbm>> -> memref<1000000x64xf32, #tpu.memory_space<hbm>>
    %dma_start3A_45 = tpu.memref_slice %arg7[%dma_start3A_34] : memref<5x!tpu.dma_semaphore, #tpu.memory_space<semaphore_mem>> -> memref<1x!tpu.dma_semaphore, #tpu.memory_space<semaphore_mem>>
    %dma_start3A_46 = tpu.memref_squeeze %dma_start3A_45 : memref<1x!tpu.dma_semaphore, #tpu.memory_space<semaphore_mem>> -> memref<!tpu.dma_semaphore, #tpu.memory_space<semaphore_mem>>
    tpu.enqueue_indirect_dma source(%dma_start3A_44 : memref<1000000x64xf32, #tpu.memory_space<hbm>>) target(%dma_start3A_38 : memref<128x64xf32, #tpu.memory_space<vmem>>) offsets(%dma_start3A_41 : memref<128xi32, #tpu.memory_space<vmem>>) semaphore(%dma_start3A_46 : memref<!tpu.dma_semaphore, #tpu.memory_space<semaphore_mem>>)
    %dma_start3A_47 = arith.constant 3 : i32
    %dma_start3A_48 = arith.constant 3 : i32
    %dma_start3A_49 = arith.constant 3 : i32
    %dma_start3A_50 = arith.constant 0 : i32
    %dma_start3A_51 = arith.constant 0 : i32
    %dma_start3A_52 = tpu.memref_slice %arg6[%dma_start3A_48, %dma_start3A_50, %dma_start3A_51] : memref<5x128x64xf32, #tpu.memory_space<vmem>> -> memref<1x128x64xf32, #tpu.memory_space<vmem>>
    %dma_start3A_53 = tpu.memref_squeeze %dma_start3A_52 : memref<1x128x64xf32, #tpu.memory_space<vmem>> -> memref<128x64xf32, #tpu.memory_space<vmem>>
    %dma_start3A_54 = arith.constant 0 : i32
    %dma_start3A_55 = tpu.memref_slice %arg5[%dma_start3A_47, %dma_start3A_54] : memref<50x128xi32, #tpu.memory_space<vmem>> -> memref<1x128xi32, #tpu.memory_space<vmem>>
    %dma_start3A_56 = tpu.memref_squeeze %dma_start3A_55 : memref<1x128xi32, #tpu.memory_space<vmem>> -> memref<128xi32, #tpu.memory_space<vmem>>
    %dma_start3A_57 = arith.constant 0 : i32
    %dma_start3A_58 = arith.constant 0 : i32
    %dma_start3A_59 = tpu.memref_slice %arg3[%dma_start3A_57, %dma_start3A_58] : memref<1000000x64xf32, #tpu.memory_space<hbm>> -> memref<1000000x64xf32, #tpu.memory_space<hbm>>
    %dma_start3A_60 = tpu.memref_slice %arg7[%dma_start3A_49] : memref<5x!tpu.dma_semaphore, #tpu.memory_space<semaphore_mem>> -> memref<1x!tpu.dma_semaphore, #tpu.memory_space<semaphore_mem>>
    %dma_start3A_61 = tpu.memref_squeeze %dma_start3A_60 : memref<1x!tpu.dma_semaphore, #tpu.memory_space<semaphore_mem>> -> memref<!tpu.dma_semaphore, #tpu.memory_space<semaphore_mem>>
    tpu.enqueue_indirect_dma source(%dma_start3A_59 : memref<1000000x64xf32, #tpu.memory_space<hbm>>) target(%dma_start3A_53 : memref<128x64xf32, #tpu.memory_space<vmem>>) offsets(%dma_start3A_56 : memref<128xi32, #tpu.memory_space<vmem>>) semaphore(%dma_start3A_61 : memref<!tpu.dma_semaphore, #tpu.memory_space<semaphore_mem>>)
    %dma_start3A_62 = arith.constant 4 : i32
    %dma_start3A_63 = arith.constant 4 : i32
    %dma_start3A_64 = arith.constant 4 : i32
    %dma_start3A_65 = arith.constant 0 : i32
    %dma_start3A_66 = arith.constant 0 : i32
    %dma_start3A_67 = tpu.memref_slice %arg6[%dma_start3A_63, %dma_start3A_65, %dma_start3A_66] : memref<5x128x64xf32, #tpu.memory_space<vmem>> -> memref<1x128x64xf32, #tpu.memory_space<vmem>>
    %dma_start3A_68 = tpu.memref_squeeze %dma_start3A_67 : memref<1x128x64xf32, #tpu.memory_space<vmem>> -> memref<128x64xf32, #tpu.memory_space<vmem>>
    %dma_start3A_69 = arith.constant 0 : i32
    %dma_start3A_70 = tpu.memref_slice %arg5[%dma_start3A_62, %dma_start3A_69] : memref<50x128xi32, #tpu.memory_space<vmem>> -> memref<1x128xi32, #tpu.memory_space<vmem>>
    %dma_start3A_71 = tpu.memref_squeeze %dma_start3A_70 : memref<1x128xi32, #tpu.memory_space<vmem>> -> memref<128xi32, #tpu.memory_space<vmem>>
    %dma_start3A_72 = arith.constant 0 : i32
    %dma_start3A_73 = arith.constant 0 : i32
    %dma_start3A_74 = tpu.memref_slice %arg3[%dma_start3A_72, %dma_start3A_73] : memref<1000000x64xf32, #tpu.memory_space<hbm>> -> memref<1000000x64xf32, #tpu.memory_space<hbm>>
    %dma_start3A_75 = tpu.memref_slice %arg7[%dma_start3A_64] : memref<5x!tpu.dma_semaphore, #tpu.memory_space<semaphore_mem>> -> memref<1x!tpu.dma_semaphore, #tpu.memory_space<semaphore_mem>>
    %dma_start3A_76 = tpu.memref_squeeze %dma_start3A_75 : memref<1x!tpu.dma_semaphore, #tpu.memory_space<semaphore_mem>> -> memref<!tpu.dma_semaphore, #tpu.memory_space<semaphore_mem>>
    tpu.enqueue_indirect_dma source(%dma_start3A_74 : memref<1000000x64xf32, #tpu.memory_space<hbm>>) target(%dma_start3A_68 : memref<128x64xf32, #tpu.memory_space<vmem>>) offsets(%dma_start3A_71 : memref<128xi32, #tpu.memory_space<vmem>>) semaphore(%dma_start3A_76 : memref<!tpu.dma_semaphore, #tpu.memory_space<semaphore_mem>>)
    %scan3A = arith.constant 0 : i32
    %scan3A_77 = arith.constant 0 : i32
    %scan3A_78 = arith.constant 9 : i32
    %scan3A_79 = arith.addi %scan3A_77, %scan3A_78 : i32
    %scan3A_80 = arith.constant 1 : i32
    scf.for %scan3A_346 = %scan3A_77 to %scan3A_79 step %scan3A_80  : i32 {
      %mul3A_347 = arith.constant 5 : i32
      %mul3A_348 = arith.muli %scan3A_346, %mul3A_347 : i32
      %add3A_349 = arith.constant 0 : i32
      %add3A_350 = arith.addi %mul3A_348, %add3A_349 : i32
      %dma_wait3A_351 = arith.constant 0 : i32
      %dma_wait3A_352 = arith.constant 0 : i32
      %dma_wait3A_353 = arith.constant 0 : i32
      %dma_wait3A_354 = arith.constant 0 : i32
      %dma_wait3A_355 = arith.constant 0 : i32
      %dma_wait3A_356 = tpu.memref_slice %arg6[%dma_wait3A_352, %dma_wait3A_354, %dma_wait3A_355] : memref<5x128x64xf32, #tpu.memory_space<vmem>> -> memref<1x128x64xf32, #tpu.memory_space<vmem>>
      %dma_wait3A_357 = tpu.memref_squeeze %dma_wait3A_356 : memref<1x128x64xf32, #tpu.memory_space<vmem>> -> memref<128x64xf32, #tpu.memory_space<vmem>>
      %dma_wait3A_358 = arith.constant 0 : i32
      %dma_wait3A_359 = tpu.memref_slice %arg5[%dma_wait3A_351, %dma_wait3A_358] : memref<50x128xi32, #tpu.memory_space<vmem>> -> memref<1x128xi32, #tpu.memory_space<vmem>>
      %dma_wait3A_360 = tpu.memref_squeeze %dma_wait3A_359 : memref<1x128xi32, #tpu.memory_space<vmem>> -> memref<128xi32, #tpu.memory_space<vmem>>
      %dma_wait3A_361 = arith.constant 0 : i32
      %dma_wait3A_362 = arith.constant 0 : i32
      %dma_wait3A_363 = tpu.memref_slice %arg3[%dma_wait3A_361, %dma_wait3A_362] : memref<1000000x64xf32, #tpu.memory_space<hbm>> -> memref<1000000x64xf32, #tpu.memory_space<hbm>>
      %dma_wait3A_364 = tpu.memref_slice %arg7[%dma_wait3A_353] : memref<5x!tpu.dma_semaphore, #tpu.memory_space<semaphore_mem>> -> memref<1x!tpu.dma_semaphore, #tpu.memory_space<semaphore_mem>>
      %dma_wait3A_365 = tpu.memref_squeeze %dma_wait3A_364 : memref<1x!tpu.dma_semaphore, #tpu.memory_space<semaphore_mem>> -> memref<!tpu.dma_semaphore, #tpu.memory_space<semaphore_mem>>
      tpu.wait_indirect_dma semaphore(%dma_wait3A_365 : memref<!tpu.dma_semaphore, #tpu.memory_space<semaphore_mem>>) src(%dma_wait3A_363 : memref<1000000x64xf32, #tpu.memory_space<hbm>>) dst(%dma_wait3A_357 : memref<128x64xf32, #tpu.memory_space<vmem>>)
      %add3A_366 = arith.addi %mul3A_2, %add3A_350 : i32
      %mul3A_367 = arith.constant 128 : i32
      %mul3A_368 = arith.muli %add3A_366, %mul3A_367 : i32
      %dma_start3A_369 = arith.constant 0 : i32
      %dma_start3A_370 = arith.constant 0 : i32
      %dma_start3A_371 = arith.constant 0 : i32
      %dma_start3A_372 = arith.constant 0 : i32
      %dma_start3A_373 = tpu.memref_slice %arg6[%dma_start3A_369, %dma_start3A_371, %dma_start3A_372] : memref<5x128x64xf32, #tpu.memory_space<vmem>> -> memref<1x128x64xf32, #tpu.memory_space<vmem>>
      %dma_start3A_374 = tpu.memref_squeeze %dma_start3A_373 : memref<1x128x64xf32, #tpu.memory_space<vmem>> -> memref<128x64xf32, #tpu.memory_space<vmem>>
      %dma_start3A_375 = arith.constant 0 : i32
      %dma_start3A_376 = tpu.memref_slice %arg4[%mul3A_368, %dma_start3A_375] : memref<204800x128xf32, #tpu.memory_space<hbm>> -> memref<128x64xf32, #tpu.memory_space<hbm>>
      %dma_start3A_377 = tpu.memref_slice %arg8[%dma_start3A_370] : memref<5x!tpu.dma_semaphore, #tpu.memory_space<semaphore_mem>> -> memref<1x!tpu.dma_semaphore, #tpu.memory_space<semaphore_mem>>
      %dma_start3A_378 = tpu.memref_squeeze %dma_start3A_377 : memref<1x!tpu.dma_semaphore, #tpu.memory_space<semaphore_mem>> -> memref<!tpu.dma_semaphore, #tpu.memory_space<semaphore_mem>>
      %dma_start3A_379 = arith.constant 0 : i32
      %dma_start3A_380 = tpu.memref_slice %arg4[%mul3A_368, %dma_start3A_379] : memref<204800x128xf32, #tpu.memory_space<hbm>> -> memref<128x64xf32, #tpu.memory_space<hbm>>
      %dma_start3A_381 = arith.constant 0 : i32
      %dma_start3A_382 = arith.constant 0 : i32
      %dma_start3A_383 = tpu.memref_slice %arg6[%dma_start3A_369, %dma_start3A_381, %dma_start3A_382] : memref<5x128x64xf32, #tpu.memory_space<vmem>> -> memref<1x128x64xf32, #tpu.memory_space<vmem>>
      %dma_start3A_384 = tpu.memref_squeeze %dma_start3A_383 : memref<1x128x64xf32, #tpu.memory_space<vmem>> -> memref<128x64xf32, #tpu.memory_space<vmem>>
      tpu.enqueue_dma source(%dma_start3A_384 : memref<128x64xf32, #tpu.memory_space<vmem>>) target(%dma_start3A_380 : memref<128x64xf32, #tpu.memory_space<hbm>>) target_semaphore(%dma_start3A_378 : memref<!tpu.dma_semaphore, #tpu.memory_space<semaphore_mem>>)
      %dma_wait3A_385 = arith.constant 0 : i32
      %dma_wait3A_386 = arith.constant 0 : i32
      %dma_wait3A_387 = arith.constant 0 : i32
      %dma_wait3A_388 = arith.constant 0 : i32
      %dma_wait3A_389 = tpu.memref_slice %arg6[%dma_wait3A_385, %dma_wait3A_387, %dma_wait3A_388] : memref<5x128x64xf32, #tpu.memory_space<vmem>> -> memref<1x128x64xf32, #tpu.memory_space<vmem>>
      %dma_wait3A_390 = tpu.memref_squeeze %dma_wait3A_389 : memref<1x128x64xf32, #tpu.memory_space<vmem>> -> memref<128x64xf32, #tpu.memory_space<vmem>>
      %dma_wait3A_391 = arith.constant 0 : i32
      %dma_wait3A_392 = arith.constant 0 : i32
      %dma_wait3A_393 = tpu.memref_slice %arg4[%dma_wait3A_391, %dma_wait3A_392] : memref<204800x128xf32, #tpu.memory_space<hbm>> -> memref<128x64xf32, #tpu.memory_space<hbm>>
      %dma_wait3A_394 = tpu.memref_slice %arg8[%dma_wait3A_386] : memref<5x!tpu.dma_semaphore, #tpu.memory_space<semaphore_mem>> -> memref<1x!tpu.dma_semaphore, #tpu.memory_space<semaphore_mem>>
      %dma_wait3A_395 = tpu.memref_squeeze %dma_wait3A_394 : memref<1x!tpu.dma_semaphore, #tpu.memory_space<semaphore_mem>> -> memref<!tpu.dma_semaphore, #tpu.memory_space<semaphore_mem>>
      %dma_wait3A_396 = arith.constant 0 : i32
      %dma_wait3A_397 = arith.constant 0 : i32
      %dma_wait3A_398 = tpu.memref_slice %arg4[%dma_wait3A_396, %dma_wait3A_397] : memref<204800x128xf32, #tpu.memory_space<hbm>> -> memref<128x64xf32, #tpu.memory_space<hbm>>
      %dma_wait3A_399 = arith.constant 0 : i32
      %dma_wait3A_400 = arith.constant 0 : i32
      %dma_wait3A_401 = tpu.memref_slice %arg6[%dma_wait3A_385, %dma_wait3A_399, %dma_wait3A_400] : memref<5x128x64xf32, #tpu.memory_space<vmem>> -> memref<1x128x64xf32, #tpu.memory_space<vmem>>
      %dma_wait3A_402 = tpu.memref_squeeze %dma_wait3A_401 : memref<1x128x64xf32, #tpu.memory_space<vmem>> -> memref<128x64xf32, #tpu.memory_space<vmem>>
      tpu.wait_dma2 semaphore(%dma_wait3A_395 : memref<!tpu.dma_semaphore, #tpu.memory_space<semaphore_mem>>) src(%dma_wait3A_402 : memref<128x64xf32, #tpu.memory_space<vmem>>) dst(%dma_wait3A_398 : memref<128x64xf32, #tpu.memory_space<hbm>>)
      %add3A_403 = arith.constant 5 : i32
      %add3A_404 = arith.addi %add3A_350, %add3A_403 : i32
      %dma_start3A_405 = arith.constant 0 : i32
      %dma_start3A_406 = arith.constant 0 : i32
      %dma_start3A_407 = arith.constant 0 : i32
      %dma_start3A_408 = arith.constant 0 : i32
      %dma_start3A_409 = tpu.memref_slice %arg6[%dma_start3A_405, %dma_start3A_407, %dma_start3A_408] : memref<5x128x64xf32, #tpu.memory_space<vmem>> -> memref<1x128x64xf32, #tpu.memory_space<vmem>>
      %dma_start3A_410 = tpu.memref_squeeze %dma_start3A_409 : memref<1x128x64xf32, #tpu.memory_space<vmem>> -> memref<128x64xf32, #tpu.memory_space<vmem>>
      %dma_start3A_411 = arith.constant 0 : i32
      %dma_start3A_412 = tpu.memref_slice %arg5[%add3A_404, %dma_start3A_411] : memref<50x128xi32, #tpu.memory_space<vmem>> -> memref<1x128xi32, #tpu.memory_space<vmem>>
      %dma_start3A_413 = tpu.memref_squeeze %dma_start3A_412 : memref<1x128xi32, #tpu.memory_space<vmem>> -> memref<128xi32, #tpu.memory_space<vmem>>
      %dma_start3A_414 = arith.constant 0 : i32
      %dma_start3A_415 = arith.constant 0 : i32
      %dma_start3A_416 = tpu.memref_slice %arg3[%dma_start3A_414, %dma_start3A_415] : memref<1000000x64xf32, #tpu.memory_space<hbm>> -> memref<1000000x64xf32, #tpu.memory_space<hbm>>
      %dma_start3A_417 = tpu.memref_slice %arg7[%dma_start3A_406] : memref<5x!tpu.dma_semaphore, #tpu.memory_space<semaphore_mem>> -> memref<1x!tpu.dma_semaphore, #tpu.memory_space<semaphore_mem>>
      %dma_start3A_418 = tpu.memref_squeeze %dma_start3A_417 : memref<1x!tpu.dma_semaphore, #tpu.memory_space<semaphore_mem>> -> memref<!tpu.dma_semaphore, #tpu.memory_space<semaphore_mem>>
      tpu.enqueue_indirect_dma source(%dma_start3A_416 : memref<1000000x64xf32, #tpu.memory_space<hbm>>) target(%dma_start3A_410 : memref<128x64xf32, #tpu.memory_space<vmem>>) offsets(%dma_start3A_413 : memref<128xi32, #tpu.memory_space<vmem>>) semaphore(%dma_start3A_418 : memref<!tpu.dma_semaphore, #tpu.memory_space<semaphore_mem>>)
      %mul3A_419 = arith.constant 5 : i32
      %mul3A_420 = arith.muli %scan3A_346, %mul3A_419 : i32
      %add3A_421 = arith.constant 1 : i32
      %add3A_422 = arith.addi %mul3A_420, %add3A_421 : i32
      %dma_wait3A_423 = arith.constant 0 : i32
      %dma_wait3A_424 = arith.constant 1 : i32
      %dma_wait3A_425 = arith.constant 1 : i32
      %dma_wait3A_426 = arith.constant 0 : i32
      %dma_wait3A_427 = arith.constant 0 : i32
      %dma_wait3A_428 = tpu.memref_slice %arg6[%dma_wait3A_424, %dma_wait3A_426, %dma_wait3A_427] : memref<5x128x64xf32, #tpu.memory_space<vmem>> -> memref<1x128x64xf32, #tpu.memory_space<vmem>>
      %dma_wait3A_429 = tpu.memref_squeeze %dma_wait3A_428 : memref<1x128x64xf32, #tpu.memory_space<vmem>> -> memref<128x64xf32, #tpu.memory_space<vmem>>
      %dma_wait3A_430 = arith.constant 0 : i32
      %dma_wait3A_431 = tpu.memref_slice %arg5[%dma_wait3A_423, %dma_wait3A_430] : memref<50x128xi32, #tpu.memory_space<vmem>> -> memref<1x128xi32, #tpu.memory_space<vmem>>
      %dma_wait3A_432 = tpu.memref_squeeze %dma_wait3A_431 : memref<1x128xi32, #tpu.memory_space<vmem>> -> memref<128xi32, #tpu.memory_space<vmem>>
      %dma_wait3A_433 = arith.constant 0 : i32
      %dma_wait3A_434 = arith.constant 0 : i32
      %dma_wait3A_435 = tpu.memref_slice %arg3[%dma_wait3A_433, %dma_wait3A_434] : memref<1000000x64xf32, #tpu.memory_space<hbm>> -> memref<1000000x64xf32, #tpu.memory_space<hbm>>
      %dma_wait3A_436 = tpu.memref_slice %arg7[%dma_wait3A_425] : memref<5x!tpu.dma_semaphore, #tpu.memory_space<semaphore_mem>> -> memref<1x!tpu.dma_semaphore, #tpu.memory_space<semaphore_mem>>
      %dma_wait3A_437 = tpu.memref_squeeze %dma_wait3A_436 : memref<1x!tpu.dma_semaphore, #tpu.memory_space<semaphore_mem>> -> memref<!tpu.dma_semaphore, #tpu.memory_space<semaphore_mem>>
      tpu.wait_indirect_dma semaphore(%dma_wait3A_437 : memref<!tpu.dma_semaphore, #tpu.memory_space<semaphore_mem>>) src(%dma_wait3A_435 : memref<1000000x64xf32, #tpu.memory_space<hbm>>) dst(%dma_wait3A_429 : memref<128x64xf32, #tpu.memory_space<vmem>>)
      %add3A_438 = arith.addi %mul3A_2, %add3A_422 : i32
      %mul3A_439 = arith.constant 128 : i32
      %mul3A_440 = arith.muli %add3A_438, %mul3A_439 : i32
      %dma_start3A_441 = arith.constant 1 : i32
      %dma_start3A_442 = arith.constant 1 : i32
      %dma_start3A_443 = arith.constant 0 : i32
      %dma_start3A_444 = arith.constant 0 : i32
      %dma_start3A_445 = tpu.memref_slice %arg6[%dma_start3A_441, %dma_start3A_443, %dma_start3A_444] : memref<5x128x64xf32, #tpu.memory_space<vmem>> -> memref<1x128x64xf32, #tpu.memory_space<vmem>>
      %dma_start3A_446 = tpu.memref_squeeze %dma_start3A_445 : memref<1x128x64xf32, #tpu.memory_space<vmem>> -> memref<128x64xf32, #tpu.memory_space<vmem>>
      %dma_start3A_447 = arith.constant 0 : i32
      %dma_start3A_448 = tpu.memref_slice %arg4[%mul3A_440, %dma_start3A_447] : memref<204800x128xf32, #tpu.memory_space<hbm>> -> memref<128x64xf32, #tpu.memory_space<hbm>>
      %dma_start3A_449 = tpu.memref_slice %arg8[%dma_start3A_442] : memref<5x!tpu.dma_semaphore, #tpu.memory_space<semaphore_mem>> -> memref<1x!tpu.dma_semaphore, #tpu.memory_space<semaphore_mem>>
      %dma_start3A_450 = tpu.memref_squeeze %dma_start3A_449 : memref<1x!tpu.dma_semaphore, #tpu.memory_space<semaphore_mem>> -> memref<!tpu.dma_semaphore, #tpu.memory_space<semaphore_mem>>
      %dma_start3A_451 = arith.constant 0 : i32
      %dma_start3A_452 = tpu.memref_slice %arg4[%mul3A_440, %dma_start3A_451] : memref<204800x128xf32, #tpu.memory_space<hbm>> -> memref<128x64xf32, #tpu.memory_space<hbm>>
      %dma_start3A_453 = arith.constant 0 : i32
      %dma_start3A_454 = arith.constant 0 : i32
      %dma_start3A_455 = tpu.memref_slice %arg6[%dma_start3A_441, %dma_start3A_453, %dma_start3A_454] : memref<5x128x64xf32, #tpu.memory_space<vmem>> -> memref<1x128x64xf32, #tpu.memory_space<vmem>>
      %dma_start3A_456 = tpu.memref_squeeze %dma_start3A_455 : memref<1x128x64xf32, #tpu.memory_space<vmem>> -> memref<128x64xf32, #tpu.memory_space<vmem>>
      tpu.enqueue_dma source(%dma_start3A_456 : memref<128x64xf32, #tpu.memory_space<vmem>>) target(%dma_start3A_452 : memref<128x64xf32, #tpu.memory_space<hbm>>) target_semaphore(%dma_start3A_450 : memref<!tpu.dma_semaphore, #tpu.memory_space<semaphore_mem>>)
      %dma_wait3A_457 = arith.constant 1 : i32
      %dma_wait3A_458 = arith.constant 1 : i32
      %dma_wait3A_459 = arith.constant 0 : i32
      %dma_wait3A_460 = arith.constant 0 : i32
      %dma_wait3A_461 = tpu.memref_slice %arg6[%dma_wait3A_457, %dma_wait3A_459, %dma_wait3A_460] : memref<5x128x64xf32, #tpu.memory_space<vmem>> -> memref<1x128x64xf32, #tpu.memory_space<vmem>>
      %dma_wait3A_462 = tpu.memref_squeeze %dma_wait3A_461 : memref<1x128x64xf32, #tpu.memory_space<vmem>> -> memref<128x64xf32, #tpu.memory_space<vmem>>
      %dma_wait3A_463 = arith.constant 0 : i32
      %dma_wait3A_464 = arith.constant 0 : i32
      %dma_wait3A_465 = tpu.memref_slice %arg4[%dma_wait3A_463, %dma_wait3A_464] : memref<204800x128xf32, #tpu.memory_space<hbm>> -> memref<128x64xf32, #tpu.memory_space<hbm>>
      %dma_wait3A_466 = tpu.memref_slice %arg8[%dma_wait3A_458] : memref<5x!tpu.dma_semaphore, #tpu.memory_space<semaphore_mem>> -> memref<1x!tpu.dma_semaphore, #tpu.memory_space<semaphore_mem>>
      %dma_wait3A_467 = tpu.memref_squeeze %dma_wait3A_466 : memref<1x!tpu.dma_semaphore, #tpu.memory_space<semaphore_mem>> -> memref<!tpu.dma_semaphore, #tpu.memory_space<semaphore_mem>>
      %dma_wait3A_468 = arith.constant 0 : i32
      %dma_wait3A_469 = arith.constant 0 : i32
      %dma_wait3A_470 = tpu.memref_slice %arg4[%dma_wait3A_468, %dma_wait3A_469] : memref<204800x128xf32, #tpu.memory_space<hbm>> -> memref<128x64xf32, #tpu.memory_space<hbm>>
      %dma_wait3A_471 = arith.constant 0 : i32
      %dma_wait3A_472 = arith.constant 0 : i32
      %dma_wait3A_473 = tpu.memref_slice %arg6[%dma_wait3A_457, %dma_wait3A_471, %dma_wait3A_472] : memref<5x128x64xf32, #tpu.memory_space<vmem>> -> memref<1x128x64xf32, #tpu.memory_space<vmem>>
      %dma_wait3A_474 = tpu.memref_squeeze %dma_wait3A_473 : memref<1x128x64xf32, #tpu.memory_space<vmem>> -> memref<128x64xf32, #tpu.memory_space<vmem>>
      tpu.wait_dma2 semaphore(%dma_wait3A_467 : memref<!tpu.dma_semaphore, #tpu.memory_space<semaphore_mem>>) src(%dma_wait3A_474 : memref<128x64xf32, #tpu.memory_space<vmem>>) dst(%dma_wait3A_470 : memref<128x64xf32, #tpu.memory_space<hbm>>)
      %add3A_475 = arith.constant 5 : i32
      %add3A_476 = arith.addi %add3A_422, %add3A_475 : i32
      %dma_start3A_477 = arith.constant 1 : i32
      %dma_start3A_478 = arith.constant 1 : i32
      %dma_start3A_479 = arith.constant 0 : i32
      %dma_start3A_480 = arith.constant 0 : i32
      %dma_start3A_481 = tpu.memref_slice %arg6[%dma_start3A_477, %dma_start3A_479, %dma_start3A_480] : memref<5x128x64xf32, #tpu.memory_space<vmem>> -> memref<1x128x64xf32, #tpu.memory_space<vmem>>
      %dma_start3A_482 = tpu.memref_squeeze %dma_start3A_481 : memref<1x128x64xf32, #tpu.memory_space<vmem>> -> memref<128x64xf32, #tpu.memory_space<vmem>>
      %dma_start3A_483 = arith.constant 0 : i32
      %dma_start3A_484 = tpu.memref_slice %arg5[%add3A_476, %dma_start3A_483] : memref<50x128xi32, #tpu.memory_space<vmem>> -> memref<1x128xi32, #tpu.memory_space<vmem>>
      %dma_start3A_485 = tpu.memref_squeeze %dma_start3A_484 : memref<1x128xi32, #tpu.memory_space<vmem>> -> memref<128xi32, #tpu.memory_space<vmem>>
      %dma_start3A_486 = arith.constant 0 : i32
      %dma_start3A_487 = arith.constant 0 : i32
      %dma_start3A_488 = tpu.memref_slice %arg3[%dma_start3A_486, %dma_start3A_487] : memref<1000000x64xf32, #tpu.memory_space<hbm>> -> memref<1000000x64xf32, #tpu.memory_space<hbm>>
      %dma_start3A_489 = tpu.memref_slice %arg7[%dma_start3A_478] : memref<5x!tpu.dma_semaphore, #tpu.memory_space<semaphore_mem>> -> memref<1x!tpu.dma_semaphore, #tpu.memory_space<semaphore_mem>>
      %dma_start3A_490 = tpu.memref_squeeze %dma_start3A_489 : memref<1x!tpu.dma_semaphore, #tpu.memory_space<semaphore_mem>> -> memref<!tpu.dma_semaphore, #tpu.memory_space<semaphore_mem>>
      tpu.enqueue_indirect_dma source(%dma_start3A_488 : memref<1000000x64xf32, #tpu.memory_space<hbm>>) target(%dma_start3A_482 : memref<128x64xf32, #tpu.memory_space<vmem>>) offsets(%dma_start3A_485 : memref<128xi32, #tpu.memory_space<vmem>>) semaphore(%dma_start3A_490 : memref<!tpu.dma_semaphore, #tpu.memory_space<semaphore_mem>>)
      %mul3A_491 = arith.constant 5 : i32
      %mul3A_492 = arith.muli %scan3A_346, %mul3A_491 : i32
      %add3A_493 = arith.constant 2 : i32
      %add3A_494 = arith.addi %mul3A_492, %add3A_493 : i32
      %dma_wait3A_495 = arith.constant 0 : i32
      %dma_wait3A_496 = arith.constant 2 : i32
      %dma_wait3A_497 = arith.constant 2 : i32
      %dma_wait3A_498 = arith.constant 0 : i32
      %dma_wait3A_499 = arith.constant 0 : i32
      %dma_wait3A_500 = tpu.memref_slice %arg6[%dma_wait3A_496, %dma_wait3A_498, %dma_wait3A_499] : memref<5x128x64xf32, #tpu.memory_space<vmem>> -> memref<1x128x64xf32, #tpu.memory_space<vmem>>
      %dma_wait3A_501 = tpu.memref_squeeze %dma_wait3A_500 : memref<1x128x64xf32, #tpu.memory_space<vmem>> -> memref<128x64xf32, #tpu.memory_space<vmem>>
      %dma_wait3A_502 = arith.constant 0 : i32
      %dma_wait3A_503 = tpu.memref_slice %arg5[%dma_wait3A_495, %dma_wait3A_502] : memref<50x128xi32, #tpu.memory_space<vmem>> -> memref<1x128xi32, #tpu.memory_space<vmem>>
      %dma_wait3A_504 = tpu.memref_squeeze %dma_wait3A_503 : memref<1x128xi32, #tpu.memory_space<vmem>> -> memref<128xi32, #tpu.memory_space<vmem>>
      %dma_wait3A_505 = arith.constant 0 : i32
      %dma_wait3A_506 = arith.constant 0 : i32
      %dma_wait3A_507 = tpu.memref_slice %arg3[%dma_wait3A_505, %dma_wait3A_506] : memref<1000000x64xf32, #tpu.memory_space<hbm>> -> memref<1000000x64xf32, #tpu.memory_space<hbm>>
      %dma_wait3A_508 = tpu.memref_slice %arg7[%dma_wait3A_497] : memref<5x!tpu.dma_semaphore, #tpu.memory_space<semaphore_mem>> -> memref<1x!tpu.dma_semaphore, #tpu.memory_space<semaphore_mem>>
      %dma_wait3A_509 = tpu.memref_squeeze %dma_wait3A_508 : memref<1x!tpu.dma_semaphore, #tpu.memory_space<semaphore_mem>> -> memref<!tpu.dma_semaphore, #tpu.memory_space<semaphore_mem>>
      tpu.wait_indirect_dma semaphore(%dma_wait3A_509 : memref<!tpu.dma_semaphore, #tpu.memory_space<semaphore_mem>>) src(%dma_wait3A_507 : memref<1000000x64xf32, #tpu.memory_space<hbm>>) dst(%dma_wait3A_501 : memref<128x64xf32, #tpu.memory_space<vmem>>)
      %add3A_510 = arith.addi %mul3A_2, %add3A_494 : i32
      %mul3A_511 = arith.constant 128 : i32
      %mul3A_512 = arith.muli %add3A_510, %mul3A_511 : i32
      %dma_start3A_513 = arith.constant 2 : i32
      %dma_start3A_514 = arith.constant 2 : i32
      %dma_start3A_515 = arith.constant 0 : i32
      %dma_start3A_516 = arith.constant 0 : i32
      %dma_start3A_517 = tpu.memref_slice %arg6[%dma_start3A_513, %dma_start3A_515, %dma_start3A_516] : memref<5x128x64xf32, #tpu.memory_space<vmem>> -> memref<1x128x64xf32, #tpu.memory_space<vmem>>
      %dma_start3A_518 = tpu.memref_squeeze %dma_start3A_517 : memref<1x128x64xf32, #tpu.memory_space<vmem>> -> memref<128x64xf32, #tpu.memory_space<vmem>>
      %dma_start3A_519 = arith.constant 0 : i32
      %dma_start3A_520 = tpu.memref_slice %arg4[%mul3A_512, %dma_start3A_519] : memref<204800x128xf32, #tpu.memory_space<hbm>> -> memref<128x64xf32, #tpu.memory_space<hbm>>
      %dma_start3A_521 = tpu.memref_slice %arg8[%dma_start3A_514] : memref<5x!tpu.dma_semaphore, #tpu.memory_space<semaphore_mem>> -> memref<1x!tpu.dma_semaphore, #tpu.memory_space<semaphore_mem>>
      %dma_start3A_522 = tpu.memref_squeeze %dma_start3A_521 : memref<1x!tpu.dma_semaphore, #tpu.memory_space<semaphore_mem>> -> memref<!tpu.dma_semaphore, #tpu.memory_space<semaphore_mem>>
      %dma_start3A_523 = arith.constant 0 : i32
      %dma_start3A_524 = tpu.memref_slice %arg4[%mul3A_512, %dma_start3A_523] : memref<204800x128xf32, #tpu.memory_space<hbm>> -> memref<128x64xf32, #tpu.memory_space<hbm>>
      %dma_start3A_525 = arith.constant 0 : i32
      %dma_start3A_526 = arith.constant 0 : i32
      %dma_start3A_527 = tpu.memref_slice %arg6[%dma_start3A_513, %dma_start3A_525, %dma_start3A_526] : memref<5x128x64xf32, #tpu.memory_space<vmem>> -> memref<1x128x64xf32, #tpu.memory_space<vmem>>
      %dma_start3A_528 = tpu.memref_squeeze %dma_start3A_527 : memref<1x128x64xf32, #tpu.memory_space<vmem>> -> memref<128x64xf32, #tpu.memory_space<vmem>>
      tpu.enqueue_dma source(%dma_start3A_528 : memref<128x64xf32, #tpu.memory_space<vmem>>) target(%dma_start3A_524 : memref<128x64xf32, #tpu.memory_space<hbm>>) target_semaphore(%dma_start3A_522 : memref<!tpu.dma_semaphore, #tpu.memory_space<semaphore_mem>>)
      %dma_wait3A_529 = arith.constant 2 : i32
      %dma_wait3A_530 = arith.constant 2 : i32
      %dma_wait3A_531 = arith.constant 0 : i32
      %dma_wait3A_532 = arith.constant 0 : i32
      %dma_wait3A_533 = tpu.memref_slice %arg6[%dma_wait3A_529, %dma_wait3A_531, %dma_wait3A_532] : memref<5x128x64xf32, #tpu.memory_space<vmem>> -> memref<1x128x64xf32, #tpu.memory_space<vmem>>
      %dma_wait3A_534 = tpu.memref_squeeze %dma_wait3A_533 : memref<1x128x64xf32, #tpu.memory_space<vmem>> -> memref<128x64xf32, #tpu.memory_space<vmem>>
      %dma_wait3A_535 = arith.constant 0 : i32
      %dma_wait3A_536 = arith.constant 0 : i32
      %dma_wait3A_537 = tpu.memref_slice %arg4[%dma_wait3A_535, %dma_wait3A_536] : memref<204800x128xf32, #tpu.memory_space<hbm>> -> memref<128x64xf32, #tpu.memory_space<hbm>>
      %dma_wait3A_538 = tpu.memref_slice %arg8[%dma_wait3A_530] : memref<5x!tpu.dma_semaphore, #tpu.memory_space<semaphore_mem>> -> memref<1x!tpu.dma_semaphore, #tpu.memory_space<semaphore_mem>>
      %dma_wait3A_539 = tpu.memref_squeeze %dma_wait3A_538 : memref<1x!tpu.dma_semaphore, #tpu.memory_space<semaphore_mem>> -> memref<!tpu.dma_semaphore, #tpu.memory_space<semaphore_mem>>
      %dma_wait3A_540 = arith.constant 0 : i32
      %dma_wait3A_541 = arith.constant 0 : i32
      %dma_wait3A_542 = tpu.memref_slice %arg4[%dma_wait3A_540, %dma_wait3A_541] : memref<204800x128xf32, #tpu.memory_space<hbm>> -> memref<128x64xf32, #tpu.memory_space<hbm>>
      %dma_wait3A_543 = arith.constant 0 : i32
      %dma_wait3A_544 = arith.constant 0 : i32
      %dma_wait3A_545 = tpu.memref_slice %arg6[%dma_wait3A_529, %dma_wait3A_543, %dma_wait3A_544] : memref<5x128x64xf32, #tpu.memory_space<vmem>> -> memref<1x128x64xf32, #tpu.memory_space<vmem>>
      %dma_wait3A_546 = tpu.memref_squeeze %dma_wait3A_545 : memref<1x128x64xf32, #tpu.memory_space<vmem>> -> memref<128x64xf32, #tpu.memory_space<vmem>>
      tpu.wait_dma2 semaphore(%dma_wait3A_539 : memref<!tpu.dma_semaphore, #tpu.memory_space<semaphore_mem>>) src(%dma_wait3A_546 : memref<128x64xf32, #tpu.memory_space<vmem>>) dst(%dma_wait3A_542 : memref<128x64xf32, #tpu.memory_space<hbm>>)
      %add3A_547 = arith.constant 5 : i32
      %add3A_548 = arith.addi %add3A_494, %add3A_547 : i32
      %dma_start3A_549 = arith.constant 2 : i32
      %dma_start3A_550 = arith.constant 2 : i32
      %dma_start3A_551 = arith.constant 0 : i32
      %dma_start3A_552 = arith.constant 0 : i32
      %dma_start3A_553 = tpu.memref_slice %arg6[%dma_start3A_549, %dma_start3A_551, %dma_start3A_552] : memref<5x128x64xf32, #tpu.memory_space<vmem>> -> memref<1x128x64xf32, #tpu.memory_space<vmem>>
      %dma_start3A_554 = tpu.memref_squeeze %dma_start3A_553 : memref<1x128x64xf32, #tpu.memory_space<vmem>> -> memref<128x64xf32, #tpu.memory_space<vmem>>
      %dma_start3A_555 = arith.constant 0 : i32
      %dma_start3A_556 = tpu.memref_slice %arg5[%add3A_548, %dma_start3A_555] : memref<50x128xi32, #tpu.memory_space<vmem>> -> memref<1x128xi32, #tpu.memory_space<vmem>>
      %dma_start3A_557 = tpu.memref_squeeze %dma_start3A_556 : memref<1x128xi32, #tpu.memory_space<vmem>> -> memref<128xi32, #tpu.memory_space<vmem>>
      %dma_start3A_558 = arith.constant 0 : i32
      %dma_start3A_559 = arith.constant 0 : i32
      %dma_start3A_560 = tpu.memref_slice %arg3[%dma_start3A_558, %dma_start3A_559] : memref<1000000x64xf32, #tpu.memory_space<hbm>> -> memref<1000000x64xf32, #tpu.memory_space<hbm>>
      %dma_start3A_561 = tpu.memref_slice %arg7[%dma_start3A_550] : memref<5x!tpu.dma_semaphore, #tpu.memory_space<semaphore_mem>> -> memref<1x!tpu.dma_semaphore, #tpu.memory_space<semaphore_mem>>
      %dma_start3A_562 = tpu.memref_squeeze %dma_start3A_561 : memref<1x!tpu.dma_semaphore, #tpu.memory_space<semaphore_mem>> -> memref<!tpu.dma_semaphore, #tpu.memory_space<semaphore_mem>>
      tpu.enqueue_indirect_dma source(%dma_start3A_560 : memref<1000000x64xf32, #tpu.memory_space<hbm>>) target(%dma_start3A_554 : memref<128x64xf32, #tpu.memory_space<vmem>>) offsets(%dma_start3A_557 : memref<128xi32, #tpu.memory_space<vmem>>) semaphore(%dma_start3A_562 : memref<!tpu.dma_semaphore, #tpu.memory_space<semaphore_mem>>)
      %mul3A_563 = arith.constant 5 : i32
      %mul3A_564 = arith.muli %scan3A_346, %mul3A_563 : i32
      %add3A_565 = arith.constant 3 : i32
      %add3A_566 = arith.addi %mul3A_564, %add3A_565 : i32
      %dma_wait3A_567 = arith.constant 0 : i32
      %dma_wait3A_568 = arith.constant 3 : i32
      %dma_wait3A_569 = arith.constant 3 : i32
      %dma_wait3A_570 = arith.constant 0 : i32
      %dma_wait3A_571 = arith.constant 0 : i32
      %dma_wait3A_572 = tpu.memref_slice %arg6[%dma_wait3A_568, %dma_wait3A_570, %dma_wait3A_571] : memref<5x128x64xf32, #tpu.memory_space<vmem>> -> memref<1x128x64xf32, #tpu.memory_space<vmem>>
      %dma_wait3A_573 = tpu.memref_squeeze %dma_wait3A_572 : memref<1x128x64xf32, #tpu.memory_space<vmem>> -> memref<128x64xf32, #tpu.memory_space<vmem>>
      %dma_wait3A_574 = arith.constant 0 : i32
      %dma_wait3A_575 = tpu.memref_slice %arg5[%dma_wait3A_567, %dma_wait3A_574] : memref<50x128xi32, #tpu.memory_space<vmem>> -> memref<1x128xi32, #tpu.memory_space<vmem>>
      %dma_wait3A_576 = tpu.memref_squeeze %dma_wait3A_575 : memref<1x128xi32, #tpu.memory_space<vmem>> -> memref<128xi32, #tpu.memory_space<vmem>>
      %dma_wait3A_577 = arith.constant 0 : i32
      %dma_wait3A_578 = arith.constant 0 : i32
      %dma_wait3A_579 = tpu.memref_slice %arg3[%dma_wait3A_577, %dma_wait3A_578] : memref<1000000x64xf32, #tpu.memory_space<hbm>> -> memref<1000000x64xf32, #tpu.memory_space<hbm>>
      %dma_wait3A_580 = tpu.memref_slice %arg7[%dma_wait3A_569] : memref<5x!tpu.dma_semaphore, #tpu.memory_space<semaphore_mem>> -> memref<1x!tpu.dma_semaphore, #tpu.memory_space<semaphore_mem>>
      %dma_wait3A_581 = tpu.memref_squeeze %dma_wait3A_580 : memref<1x!tpu.dma_semaphore, #tpu.memory_space<semaphore_mem>> -> memref<!tpu.dma_semaphore, #tpu.memory_space<semaphore_mem>>
      tpu.wait_indirect_dma semaphore(%dma_wait3A_581 : memref<!tpu.dma_semaphore, #tpu.memory_space<semaphore_mem>>) src(%dma_wait3A_579 : memref<1000000x64xf32, #tpu.memory_space<hbm>>) dst(%dma_wait3A_573 : memref<128x64xf32, #tpu.memory_space<vmem>>)
      %add3A_582 = arith.addi %mul3A_2, %add3A_566 : i32
      %mul3A_583 = arith.constant 128 : i32
      %mul3A_584 = arith.muli %add3A_582, %mul3A_583 : i32
      %dma_start3A_585 = arith.constant 3 : i32
      %dma_start3A_586 = arith.constant 3 : i32
      %dma_start3A_587 = arith.constant 0 : i32
      %dma_start3A_588 = arith.constant 0 : i32
      %dma_start3A_589 = tpu.memref_slice %arg6[%dma_start3A_585, %dma_start3A_587, %dma_start3A_588] : memref<5x128x64xf32, #tpu.memory_space<vmem>> -> memref<1x128x64xf32, #tpu.memory_space<vmem>>
      %dma_start3A_590 = tpu.memref_squeeze %dma_start3A_589 : memref<1x128x64xf32, #tpu.memory_space<vmem>> -> memref<128x64xf32, #tpu.memory_space<vmem>>
      %dma_start3A_591 = arith.constant 0 : i32
      %dma_start3A_592 = tpu.memref_slice %arg4[%mul3A_584, %dma_start3A_591] : memref<204800x128xf32, #tpu.memory_space<hbm>> -> memref<128x64xf32, #tpu.memory_space<hbm>>
      %dma_start3A_593 = tpu.memref_slice %arg8[%dma_start3A_586] : memref<5x!tpu.dma_semaphore, #tpu.memory_space<semaphore_mem>> -> memref<1x!tpu.dma_semaphore, #tpu.memory_space<semaphore_mem>>
      %dma_start3A_594 = tpu.memref_squeeze %dma_start3A_593 : memref<1x!tpu.dma_semaphore, #tpu.memory_space<semaphore_mem>> -> memref<!tpu.dma_semaphore, #tpu.memory_space<semaphore_mem>>
      %dma_start3A_595 = arith.constant 0 : i32
      %dma_start3A_596 = tpu.memref_slice %arg4[%mul3A_584, %dma_start3A_595] : memref<204800x128xf32, #tpu.memory_space<hbm>> -> memref<128x64xf32, #tpu.memory_space<hbm>>
      %dma_start3A_597 = arith.constant 0 : i32
      %dma_start3A_598 = arith.constant 0 : i32
      %dma_start3A_599 = tpu.memref_slice %arg6[%dma_start3A_585, %dma_start3A_597, %dma_start3A_598] : memref<5x128x64xf32, #tpu.memory_space<vmem>> -> memref<1x128x64xf32, #tpu.memory_space<vmem>>
      %dma_start3A_600 = tpu.memref_squeeze %dma_start3A_599 : memref<1x128x64xf32, #tpu.memory_space<vmem>> -> memref<128x64xf32, #tpu.memory_space<vmem>>
      tpu.enqueue_dma source(%dma_start3A_600 : memref<128x64xf32, #tpu.memory_space<vmem>>) target(%dma_start3A_596 : memref<128x64xf32, #tpu.memory_space<hbm>>) target_semaphore(%dma_start3A_594 : memref<!tpu.dma_semaphore, #tpu.memory_space<semaphore_mem>>)
      %dma_wait3A_601 = arith.constant 3 : i32
      %dma_wait3A_602 = arith.constant 3 : i32
      %dma_wait3A_603 = arith.constant 0 : i32
      %dma_wait3A_604 = arith.constant 0 : i32
      %dma_wait3A_605 = tpu.memref_slice %arg6[%dma_wait3A_601, %dma_wait3A_603, %dma_wait3A_604] : memref<5x128x64xf32, #tpu.memory_space<vmem>> -> memref<1x128x64xf32, #tpu.memory_space<vmem>>
      %dma_wait3A_606 = tpu.memref_squeeze %dma_wait3A_605 : memref<1x128x64xf32, #tpu.memory_space<vmem>> -> memref<128x64xf32, #tpu.memory_space<vmem>>
      %dma_wait3A_607 = arith.constant 0 : i32
      %dma_wait3A_608 = arith.constant 0 : i32
      %dma_wait3A_609 = tpu.memref_slice %arg4[%dma_wait3A_607, %dma_wait3A_608] : memref<204800x128xf32, #tpu.memory_space<hbm>> -> memref<128x64xf32, #tpu.memory_space<hbm>>
      %dma_wait3A_610 = tpu.memref_slice %arg8[%dma_wait3A_602] : memref<5x!tpu.dma_semaphore, #tpu.memory_space<semaphore_mem>> -> memref<1x!tpu.dma_semaphore, #tpu.memory_space<semaphore_mem>>
      %dma_wait3A_611 = tpu.memref_squeeze %dma_wait3A_610 : memref<1x!tpu.dma_semaphore, #tpu.memory_space<semaphore_mem>> -> memref<!tpu.dma_semaphore, #tpu.memory_space<semaphore_mem>>
      %dma_wait3A_612 = arith.constant 0 : i32
      %dma_wait3A_613 = arith.constant 0 : i32
      %dma_wait3A_614 = tpu.memref_slice %arg4[%dma_wait3A_612, %dma_wait3A_613] : memref<204800x128xf32, #tpu.memory_space<hbm>> -> memref<128x64xf32, #tpu.memory_space<hbm>>
      %dma_wait3A_615 = arith.constant 0 : i32
      %dma_wait3A_616 = arith.constant 0 : i32
      %dma_wait3A_617 = tpu.memref_slice %arg6[%dma_wait3A_601, %dma_wait3A_615, %dma_wait3A_616] : memref<5x128x64xf32, #tpu.memory_space<vmem>> -> memref<1x128x64xf32, #tpu.memory_space<vmem>>
      %dma_wait3A_618 = tpu.memref_squeeze %dma_wait3A_617 : memref<1x128x64xf32, #tpu.memory_space<vmem>> -> memref<128x64xf32, #tpu.memory_space<vmem>>
      tpu.wait_dma2 semaphore(%dma_wait3A_611 : memref<!tpu.dma_semaphore, #tpu.memory_space<semaphore_mem>>) src(%dma_wait3A_618 : memref<128x64xf32, #tpu.memory_space<vmem>>) dst(%dma_wait3A_614 : memref<128x64xf32, #tpu.memory_space<hbm>>)
      %add3A_619 = arith.constant 5 : i32
      %add3A_620 = arith.addi %add3A_566, %add3A_619 : i32
      %dma_start3A_621 = arith.constant 3 : i32
      %dma_start3A_622 = arith.constant 3 : i32
      %dma_start3A_623 = arith.constant 0 : i32
      %dma_start3A_624 = arith.constant 0 : i32
      %dma_start3A_625 = tpu.memref_slice %arg6[%dma_start3A_621, %dma_start3A_623, %dma_start3A_624] : memref<5x128x64xf32, #tpu.memory_space<vmem>> -> memref<1x128x64xf32, #tpu.memory_space<vmem>>
      %dma_start3A_626 = tpu.memref_squeeze %dma_start3A_625 : memref<1x128x64xf32, #tpu.memory_space<vmem>> -> memref<128x64xf32, #tpu.memory_space<vmem>>
      %dma_start3A_627 = arith.constant 0 : i32
      %dma_start3A_628 = tpu.memref_slice %arg5[%add3A_620, %dma_start3A_627] : memref<50x128xi32, #tpu.memory_space<vmem>> -> memref<1x128xi32, #tpu.memory_space<vmem>>
      %dma_start3A_629 = tpu.memref_squeeze %dma_start3A_628 : memref<1x128xi32, #tpu.memory_space<vmem>> -> memref<128xi32, #tpu.memory_space<vmem>>
      %dma_start3A_630 = arith.constant 0 : i32
      %dma_start3A_631 = arith.constant 0 : i32
      %dma_start3A_632 = tpu.memref_slice %arg3[%dma_start3A_630, %dma_start3A_631] : memref<1000000x64xf32, #tpu.memory_space<hbm>> -> memref<1000000x64xf32, #tpu.memory_space<hbm>>
      %dma_start3A_633 = tpu.memref_slice %arg7[%dma_start3A_622] : memref<5x!tpu.dma_semaphore, #tpu.memory_space<semaphore_mem>> -> memref<1x!tpu.dma_semaphore, #tpu.memory_space<semaphore_mem>>
      %dma_start3A_634 = tpu.memref_squeeze %dma_start3A_633 : memref<1x!tpu.dma_semaphore, #tpu.memory_space<semaphore_mem>> -> memref<!tpu.dma_semaphore, #tpu.memory_space<semaphore_mem>>
      tpu.enqueue_indirect_dma source(%dma_start3A_632 : memref<1000000x64xf32, #tpu.memory_space<hbm>>) target(%dma_start3A_626 : memref<128x64xf32, #tpu.memory_space<vmem>>) offsets(%dma_start3A_629 : memref<128xi32, #tpu.memory_space<vmem>>) semaphore(%dma_start3A_634 : memref<!tpu.dma_semaphore, #tpu.memory_space<semaphore_mem>>)
      %mul3A_635 = arith.constant 5 : i32
      %mul3A_636 = arith.muli %scan3A_346, %mul3A_635 : i32
      %add3A_637 = arith.constant 4 : i32
      %add3A_638 = arith.addi %mul3A_636, %add3A_637 : i32
      %dma_wait3A_639 = arith.constant 0 : i32
      %dma_wait3A_640 = arith.constant 4 : i32
      %dma_wait3A_641 = arith.constant 4 : i32
      %dma_wait3A_642 = arith.constant 0 : i32
      %dma_wait3A_643 = arith.constant 0 : i32
      %dma_wait3A_644 = tpu.memref_slice %arg6[%dma_wait3A_640, %dma_wait3A_642, %dma_wait3A_643] : memref<5x128x64xf32, #tpu.memory_space<vmem>> -> memref<1x128x64xf32, #tpu.memory_space<vmem>>
      %dma_wait3A_645 = tpu.memref_squeeze %dma_wait3A_644 : memref<1x128x64xf32, #tpu.memory_space<vmem>> -> memref<128x64xf32, #tpu.memory_space<vmem>>
      %dma_wait3A_646 = arith.constant 0 : i32
      %dma_wait3A_647 = tpu.memref_slice %arg5[%dma_wait3A_639, %dma_wait3A_646] : memref<50x128xi32, #tpu.memory_space<vmem>> -> memref<1x128xi32, #tpu.memory_space<vmem>>
      %dma_wait3A_648 = tpu.memref_squeeze %dma_wait3A_647 : memref<1x128xi32, #tpu.memory_space<vmem>> -> memref<128xi32, #tpu.memory_space<vmem>>
      %dma_wait3A_649 = arith.constant 0 : i32
      %dma_wait3A_650 = arith.constant 0 : i32
      %dma_wait3A_651 = tpu.memref_slice %arg3[%dma_wait3A_649, %dma_wait3A_650] : memref<1000000x64xf32, #tpu.memory_space<hbm>> -> memref<1000000x64xf32, #tpu.memory_space<hbm>>
      %dma_wait3A_652 = tpu.memref_slice %arg7[%dma_wait3A_641] : memref<5x!tpu.dma_semaphore, #tpu.memory_space<semaphore_mem>> -> memref<1x!tpu.dma_semaphore, #tpu.memory_space<semaphore_mem>>
      %dma_wait3A_653 = tpu.memref_squeeze %dma_wait3A_652 : memref<1x!tpu.dma_semaphore, #tpu.memory_space<semaphore_mem>> -> memref<!tpu.dma_semaphore, #tpu.memory_space<semaphore_mem>>
      tpu.wait_indirect_dma semaphore(%dma_wait3A_653 : memref<!tpu.dma_semaphore, #tpu.memory_space<semaphore_mem>>) src(%dma_wait3A_651 : memref<1000000x64xf32, #tpu.memory_space<hbm>>) dst(%dma_wait3A_645 : memref<128x64xf32, #tpu.memory_space<vmem>>)
      %add3A_654 = arith.addi %mul3A_2, %add3A_638 : i32
      %mul3A_655 = arith.constant 128 : i32
      %mul3A_656 = arith.muli %add3A_654, %mul3A_655 : i32
      %dma_start3A_657 = arith.constant 4 : i32
      %dma_start3A_658 = arith.constant 4 : i32
      %dma_start3A_659 = arith.constant 0 : i32
      %dma_start3A_660 = arith.constant 0 : i32
      %dma_start3A_661 = tpu.memref_slice %arg6[%dma_start3A_657, %dma_start3A_659, %dma_start3A_660] : memref<5x128x64xf32, #tpu.memory_space<vmem>> -> memref<1x128x64xf32, #tpu.memory_space<vmem>>
      %dma_start3A_662 = tpu.memref_squeeze %dma_start3A_661 : memref<1x128x64xf32, #tpu.memory_space<vmem>> -> memref<128x64xf32, #tpu.memory_space<vmem>>
      %dma_start3A_663 = arith.constant 0 : i32
      %dma_start3A_664 = tpu.memref_slice %arg4[%mul3A_656, %dma_start3A_663] : memref<204800x128xf32, #tpu.memory_space<hbm>> -> memref<128x64xf32, #tpu.memory_space<hbm>>
      %dma_start3A_665 = tpu.memref_slice %arg8[%dma_start3A_658] : memref<5x!tpu.dma_semaphore, #tpu.memory_space<semaphore_mem>> -> memref<1x!tpu.dma_semaphore, #tpu.memory_space<semaphore_mem>>
      %dma_start3A_666 = tpu.memref_squeeze %dma_start3A_665 : memref<1x!tpu.dma_semaphore, #tpu.memory_space<semaphore_mem>> -> memref<!tpu.dma_semaphore, #tpu.memory_space<semaphore_mem>>
      %dma_start3A_667 = arith.constant 0 : i32
      %dma_start3A_668 = tpu.memref_slice %arg4[%mul3A_656, %dma_start3A_667] : memref<204800x128xf32, #tpu.memory_space<hbm>> -> memref<128x64xf32, #tpu.memory_space<hbm>>
      %dma_start3A_669 = arith.constant 0 : i32
      %dma_start3A_670 = arith.constant 0 : i32
      %dma_start3A_671 = tpu.memref_slice %arg6[%dma_start3A_657, %dma_start3A_669, %dma_start3A_670] : memref<5x128x64xf32, #tpu.memory_space<vmem>> -> memref<1x128x64xf32, #tpu.memory_space<vmem>>
      %dma_start3A_672 = tpu.memref_squeeze %dma_start3A_671 : memref<1x128x64xf32, #tpu.memory_space<vmem>> -> memref<128x64xf32, #tpu.memory_space<vmem>>
      tpu.enqueue_dma source(%dma_start3A_672 : memref<128x64xf32, #tpu.memory_space<vmem>>) target(%dma_start3A_668 : memref<128x64xf32, #tpu.memory_space<hbm>>) target_semaphore(%dma_start3A_666 : memref<!tpu.dma_semaphore, #tpu.memory_space<semaphore_mem>>)
      %dma_wait3A_673 = arith.constant 4 : i32
      %dma_wait3A_674 = arith.constant 4 : i32
      %dma_wait3A_675 = arith.constant 0 : i32
      %dma_wait3A_676 = arith.constant 0 : i32
      %dma_wait3A_677 = tpu.memref_slice %arg6[%dma_wait3A_673, %dma_wait3A_675, %dma_wait3A_676] : memref<5x128x64xf32, #tpu.memory_space<vmem>> -> memref<1x128x64xf32, #tpu.memory_space<vmem>>
      %dma_wait3A_678 = tpu.memref_squeeze %dma_wait3A_677 : memref<1x128x64xf32, #tpu.memory_space<vmem>> -> memref<128x64xf32, #tpu.memory_space<vmem>>
      %dma_wait3A_679 = arith.constant 0 : i32
      %dma_wait3A_680 = arith.constant 0 : i32
      %dma_wait3A_681 = tpu.memref_slice %arg4[%dma_wait3A_679, %dma_wait3A_680] : memref<204800x128xf32, #tpu.memory_space<hbm>> -> memref<128x64xf32, #tpu.memory_space<hbm>>
      %dma_wait3A_682 = tpu.memref_slice %arg8[%dma_wait3A_674] : memref<5x!tpu.dma_semaphore, #tpu.memory_space<semaphore_mem>> -> memref<1x!tpu.dma_semaphore, #tpu.memory_space<semaphore_mem>>
      %dma_wait3A_683 = tpu.memref_squeeze %dma_wait3A_682 : memref<1x!tpu.dma_semaphore, #tpu.memory_space<semaphore_mem>> -> memref<!tpu.dma_semaphore, #tpu.memory_space<semaphore_mem>>
      %dma_wait3A_684 = arith.constant 0 : i32
      %dma_wait3A_685 = arith.constant 0 : i32
      %dma_wait3A_686 = tpu.memref_slice %arg4[%dma_wait3A_684, %dma_wait3A_685] : memref<204800x128xf32, #tpu.memory_space<hbm>> -> memref<128x64xf32, #tpu.memory_space<hbm>>
      %dma_wait3A_687 = arith.constant 0 : i32
      %dma_wait3A_688 = arith.constant 0 : i32
      %dma_wait3A_689 = tpu.memref_slice %arg6[%dma_wait3A_673, %dma_wait3A_687, %dma_wait3A_688] : memref<5x128x64xf32, #tpu.memory_space<vmem>> -> memref<1x128x64xf32, #tpu.memory_space<vmem>>
      %dma_wait3A_690 = tpu.memref_squeeze %dma_wait3A_689 : memref<1x128x64xf32, #tpu.memory_space<vmem>> -> memref<128x64xf32, #tpu.memory_space<vmem>>
      tpu.wait_dma2 semaphore(%dma_wait3A_683 : memref<!tpu.dma_semaphore, #tpu.memory_space<semaphore_mem>>) src(%dma_wait3A_690 : memref<128x64xf32, #tpu.memory_space<vmem>>) dst(%dma_wait3A_686 : memref<128x64xf32, #tpu.memory_space<hbm>>)
      %add3A_691 = arith.constant 5 : i32
      %add3A_692 = arith.addi %add3A_638, %add3A_691 : i32
      %dma_start3A_693 = arith.constant 4 : i32
      %dma_start3A_694 = arith.constant 4 : i32
      %dma_start3A_695 = arith.constant 0 : i32
      %dma_start3A_696 = arith.constant 0 : i32
      %dma_start3A_697 = tpu.memref_slice %arg6[%dma_start3A_693, %dma_start3A_695, %dma_start3A_696] : memref<5x128x64xf32, #tpu.memory_space<vmem>> -> memref<1x128x64xf32, #tpu.memory_space<vmem>>
      %dma_start3A_698 = tpu.memref_squeeze %dma_start3A_697 : memref<1x128x64xf32, #tpu.memory_space<vmem>> -> memref<128x64xf32, #tpu.memory_space<vmem>>
      %dma_start3A_699 = arith.constant 0 : i32
      %dma_start3A_700 = tpu.memref_slice %arg5[%add3A_692, %dma_start3A_699] : memref<50x128xi32, #tpu.memory_space<vmem>> -> memref<1x128xi32, #tpu.memory_space<vmem>>
      %dma_start3A_701 = tpu.memref_squeeze %dma_start3A_700 : memref<1x128xi32, #tpu.memory_space<vmem>> -> memref<128xi32, #tpu.memory_space<vmem>>
      %dma_start3A_702 = arith.constant 0 : i32
      %dma_start3A_703 = arith.constant 0 : i32
      %dma_start3A_704 = tpu.memref_slice %arg3[%dma_start3A_702, %dma_start3A_703] : memref<1000000x64xf32, #tpu.memory_space<hbm>> -> memref<1000000x64xf32, #tpu.memory_space<hbm>>
      %dma_start3A_705 = tpu.memref_slice %arg7[%dma_start3A_694] : memref<5x!tpu.dma_semaphore, #tpu.memory_space<semaphore_mem>> -> memref<1x!tpu.dma_semaphore, #tpu.memory_space<semaphore_mem>>
      %dma_start3A_706 = tpu.memref_squeeze %dma_start3A_705 : memref<1x!tpu.dma_semaphore, #tpu.memory_space<semaphore_mem>> -> memref<!tpu.dma_semaphore, #tpu.memory_space<semaphore_mem>>
      tpu.enqueue_indirect_dma source(%dma_start3A_704 : memref<1000000x64xf32, #tpu.memory_space<hbm>>) target(%dma_start3A_698 : memref<128x64xf32, #tpu.memory_space<vmem>>) offsets(%dma_start3A_701 : memref<128xi32, #tpu.memory_space<vmem>>) semaphore(%dma_start3A_706 : memref<!tpu.dma_semaphore, #tpu.memory_space<semaphore_mem>>)
    }
    %scan3A_81 = arith.constant 9 : i32
    %dma_wait3A = arith.constant 0 : i32
    %dma_wait3A_82 = arith.constant 0 : i32
    %dma_wait3A_83 = arith.constant 0 : i32
    %dma_wait3A_84 = arith.constant 0 : i32
    %dma_wait3A_85 = arith.constant 0 : i32
    %dma_wait3A_86 = tpu.memref_slice %arg6[%dma_wait3A_82, %dma_wait3A_84, %dma_wait3A_85] : memref<5x128x64xf32, #tpu.memory_space<vmem>> -> memref<1x128x64xf32, #tpu.memory_space<vmem>>
    %dma_wait3A_87 = tpu.memref_squeeze %dma_wait3A_86 : memref<1x128x64xf32, #tpu.memory_space<vmem>> -> memref<128x64xf32, #tpu.memory_space<vmem>>
    %dma_wait3A_88 = arith.constant 0 : i32
    %dma_wait3A_89 = tpu.memref_slice %arg5[%dma_wait3A, %dma_wait3A_88] : memref<50x128xi32, #tpu.memory_space<vmem>> -> memref<1x128xi32, #tpu.memory_space<vmem>>
    %dma_wait3A_90 = tpu.memref_squeeze %dma_wait3A_89 : memref<1x128xi32, #tpu.memory_space<vmem>> -> memref<128xi32, #tpu.memory_space<vmem>>
    %dma_wait3A_91 = arith.constant 0 : i32
    %dma_wait3A_92 = arith.constant 0 : i32
    %dma_wait3A_93 = tpu.memref_slice %arg3[%dma_wait3A_91, %dma_wait3A_92] : memref<1000000x64xf32, #tpu.memory_space<hbm>> -> memref<1000000x64xf32, #tpu.memory_space<hbm>>
    %dma_wait3A_94 = tpu.memref_slice %arg7[%dma_wait3A_83] : memref<5x!tpu.dma_semaphore, #tpu.memory_space<semaphore_mem>> -> memref<1x!tpu.dma_semaphore, #tpu.memory_space<semaphore_mem>>
    %dma_wait3A_95 = tpu.memref_squeeze %dma_wait3A_94 : memref<1x!tpu.dma_semaphore, #tpu.memory_space<semaphore_mem>> -> memref<!tpu.dma_semaphore, #tpu.memory_space<semaphore_mem>>
    tpu.wait_indirect_dma semaphore(%dma_wait3A_95 : memref<!tpu.dma_semaphore, #tpu.memory_space<semaphore_mem>>) src(%dma_wait3A_93 : memref<1000000x64xf32, #tpu.memory_space<hbm>>) dst(%dma_wait3A_87 : memref<128x64xf32, #tpu.memory_space<vmem>>)
    %add3A_96 = arith.constant 45 : i32
    %add3A_97 = arith.addi %mul3A_2, %add3A_96 : i32
    %mul3A_98 = arith.constant 128 : i32
    %mul3A_99 = arith.muli %add3A_97, %mul3A_98 : i32
    %dma_start3A_100 = arith.constant 0 : i32
    %dma_start3A_101 = arith.constant 0 : i32
    %dma_start3A_102 = arith.constant 0 : i32
    %dma_start3A_103 = arith.constant 0 : i32
    %dma_start3A_104 = tpu.memref_slice %arg6[%dma_start3A_100, %dma_start3A_102, %dma_start3A_103] : memref<5x128x64xf32, #tpu.memory_space<vmem>> -> memref<1x128x64xf32, #tpu.memory_space<vmem>>
    %dma_start3A_105 = tpu.memref_squeeze %dma_start3A_104 : memref<1x128x64xf32, #tpu.memory_space<vmem>> -> memref<128x64xf32, #tpu.memory_space<vmem>>
    %dma_start3A_106 = arith.constant 0 : i32
    %dma_start3A_107 = tpu.memref_slice %arg4[%mul3A_99, %dma_start3A_106] : memref<204800x128xf32, #tpu.memory_space<hbm>> -> memref<128x64xf32, #tpu.memory_space<hbm>>
    %dma_start3A_108 = tpu.memref_slice %arg8[%dma_start3A_101] : memref<5x!tpu.dma_semaphore, #tpu.memory_space<semaphore_mem>> -> memref<1x!tpu.dma_semaphore, #tpu.memory_space<semaphore_mem>>
    %dma_start3A_109 = tpu.memref_squeeze %dma_start3A_108 : memref<1x!tpu.dma_semaphore, #tpu.memory_space<semaphore_mem>> -> memref<!tpu.dma_semaphore, #tpu.memory_space<semaphore_mem>>
    %dma_start3A_110 = arith.constant 0 : i32
    %dma_start3A_111 = tpu.memref_slice %arg4[%mul3A_99, %dma_start3A_110] : memref<204800x128xf32, #tpu.memory_space<hbm>> -> memref<128x64xf32, #tpu.memory_space<hbm>>
    %dma_start3A_112 = arith.constant 0 : i32
    %dma_start3A_113 = arith.constant 0 : i32
    %dma_start3A_114 = tpu.memref_slice %arg6[%dma_start3A_100, %dma_start3A_112, %dma_start3A_113] : memref<5x128x64xf32, #tpu.memory_space<vmem>> -> memref<1x128x64xf32, #tpu.memory_space<vmem>>
    %dma_start3A_115 = tpu.memref_squeeze %dma_start3A_114 : memref<1x128x64xf32, #tpu.memory_space<vmem>> -> memref<128x64xf32, #tpu.memory_space<vmem>>
    tpu.enqueue_dma source(%dma_start3A_115 : memref<128x64xf32, #tpu.memory_space<vmem>>) target(%dma_start3A_111 : memref<128x64xf32, #tpu.memory_space<hbm>>) target_semaphore(%dma_start3A_109 : memref<!tpu.dma_semaphore, #tpu.memory_space<semaphore_mem>>)
    %dma_wait3A_116 = arith.constant 0 : i32
    %dma_wait3A_117 = arith.constant 1 : i32
    %dma_wait3A_118 = arith.constant 1 : i32
    %dma_wait3A_119 = arith.constant 0 : i32
    %dma_wait3A_120 = arith.constant 0 : i32
    %dma_wait3A_121 = tpu.memref_slice %arg6[%dma_wait3A_117, %dma_wait3A_119, %dma_wait3A_120] : memref<5x128x64xf32, #tpu.memory_space<vmem>> -> memref<1x128x64xf32, #tpu.memory_space<vmem>>
    %dma_wait3A_122 = tpu.memref_squeeze %dma_wait3A_121 : memref<1x128x64xf32, #tpu.memory_space<vmem>> -> memref<128x64xf32, #tpu.memory_space<vmem>>
    %dma_wait3A_123 = arith.constant 0 : i32
    %dma_wait3A_124 = tpu.memref_slice %arg5[%dma_wait3A_116, %dma_wait3A_123] : memref<50x128xi32, #tpu.memory_space<vmem>> -> memref<1x128xi32, #tpu.memory_space<vmem>>
    %dma_wait3A_125 = tpu.memref_squeeze %dma_wait3A_124 : memref<1x128xi32, #tpu.memory_space<vmem>> -> memref<128xi32, #tpu.memory_space<vmem>>
    %dma_wait3A_126 = arith.constant 0 : i32
    %dma_wait3A_127 = arith.constant 0 : i32
    %dma_wait3A_128 = tpu.memref_slice %arg3[%dma_wait3A_126, %dma_wait3A_127] : memref<1000000x64xf32, #tpu.memory_space<hbm>> -> memref<1000000x64xf32, #tpu.memory_space<hbm>>
    %dma_wait3A_129 = tpu.memref_slice %arg7[%dma_wait3A_118] : memref<5x!tpu.dma_semaphore, #tpu.memory_space<semaphore_mem>> -> memref<1x!tpu.dma_semaphore, #tpu.memory_space<semaphore_mem>>
    %dma_wait3A_130 = tpu.memref_squeeze %dma_wait3A_129 : memref<1x!tpu.dma_semaphore, #tpu.memory_space<semaphore_mem>> -> memref<!tpu.dma_semaphore, #tpu.memory_space<semaphore_mem>>
    tpu.wait_indirect_dma semaphore(%dma_wait3A_130 : memref<!tpu.dma_semaphore, #tpu.memory_space<semaphore_mem>>) src(%dma_wait3A_128 : memref<1000000x64xf32, #tpu.memory_space<hbm>>) dst(%dma_wait3A_122 : memref<128x64xf32, #tpu.memory_space<vmem>>)
    %add3A_131 = arith.constant 46 : i32
    %add3A_132 = arith.addi %mul3A_2, %add3A_131 : i32
    %mul3A_133 = arith.constant 128 : i32
    %mul3A_134 = arith.muli %add3A_132, %mul3A_133 : i32
    %dma_start3A_135 = arith.constant 1 : i32
    %dma_start3A_136 = arith.constant 1 : i32
    %dma_start3A_137 = arith.constant 0 : i32
    %dma_start3A_138 = arith.constant 0 : i32
    %dma_start3A_139 = tpu.memref_slice %arg6[%dma_start3A_135, %dma_start3A_137, %dma_start3A_138] : memref<5x128x64xf32, #tpu.memory_space<vmem>> -> memref<1x128x64xf32, #tpu.memory_space<vmem>>
    %dma_start3A_140 = tpu.memref_squeeze %dma_start3A_139 : memref<1x128x64xf32, #tpu.memory_space<vmem>> -> memref<128x64xf32, #tpu.memory_space<vmem>>
    %dma_start3A_141 = arith.constant 0 : i32
    %dma_start3A_142 = tpu.memref_slice %arg4[%mul3A_134, %dma_start3A_141] : memref<204800x128xf32, #tpu.memory_space<hbm>> -> memref<128x64xf32, #tpu.memory_space<hbm>>
    %dma_start3A_143 = tpu.memref_slice %arg8[%dma_start3A_136] : memref<5x!tpu.dma_semaphore, #tpu.memory_space<semaphore_mem>> -> memref<1x!tpu.dma_semaphore, #tpu.memory_space<semaphore_mem>>
    %dma_start3A_144 = tpu.memref_squeeze %dma_start3A_143 : memref<1x!tpu.dma_semaphore, #tpu.memory_space<semaphore_mem>> -> memref<!tpu.dma_semaphore, #tpu.memory_space<semaphore_mem>>
    %dma_start3A_145 = arith.constant 0 : i32
    %dma_start3A_146 = tpu.memref_slice %arg4[%mul3A_134, %dma_start3A_145] : memref<204800x128xf32, #tpu.memory_space<hbm>> -> memref<128x64xf32, #tpu.memory_space<hbm>>
    %dma_start3A_147 = arith.constant 0 : i32
    %dma_start3A_148 = arith.constant 0 : i32
    %dma_start3A_149 = tpu.memref_slice %arg6[%dma_start3A_135, %dma_start3A_147, %dma_start3A_148] : memref<5x128x64xf32, #tpu.memory_space<vmem>> -> memref<1x128x64xf32, #tpu.memory_space<vmem>>
    %dma_start3A_150 = tpu.memref_squeeze %dma_start3A_149 : memref<1x128x64xf32, #tpu.memory_space<vmem>> -> memref<128x64xf32, #tpu.memory_space<vmem>>
    tpu.enqueue_dma source(%dma_start3A_150 : memref<128x64xf32, #tpu.memory_space<vmem>>) target(%dma_start3A_146 : memref<128x64xf32, #tpu.memory_space<hbm>>) target_semaphore(%dma_start3A_144 : memref<!tpu.dma_semaphore, #tpu.memory_space<semaphore_mem>>)
    %dma_wait3A_151 = arith.constant 0 : i32
    %dma_wait3A_152 = arith.constant 2 : i32
    %dma_wait3A_153 = arith.constant 2 : i32
    %dma_wait3A_154 = arith.constant 0 : i32
    %dma_wait3A_155 = arith.constant 0 : i32
    %dma_wait3A_156 = tpu.memref_slice %arg6[%dma_wait3A_152, %dma_wait3A_154, %dma_wait3A_155] : memref<5x128x64xf32, #tpu.memory_space<vmem>> -> memref<1x128x64xf32, #tpu.memory_space<vmem>>
    %dma_wait3A_157 = tpu.memref_squeeze %dma_wait3A_156 : memref<1x128x64xf32, #tpu.memory_space<vmem>> -> memref<128x64xf32, #tpu.memory_space<vmem>>
    %dma_wait3A_158 = arith.constant 0 : i32
    %dma_wait3A_159 = tpu.memref_slice %arg5[%dma_wait3A_151, %dma_wait3A_158] : memref<50x128xi32, #tpu.memory_space<vmem>> -> memref<1x128xi32, #tpu.memory_space<vmem>>
    %dma_wait3A_160 = tpu.memref_squeeze %dma_wait3A_159 : memref<1x128xi32, #tpu.memory_space<vmem>> -> memref<128xi32, #tpu.memory_space<vmem>>
    %dma_wait3A_161 = arith.constant 0 : i32
    %dma_wait3A_162 = arith.constant 0 : i32
    %dma_wait3A_163 = tpu.memref_slice %arg3[%dma_wait3A_161, %dma_wait3A_162] : memref<1000000x64xf32, #tpu.memory_space<hbm>> -> memref<1000000x64xf32, #tpu.memory_space<hbm>>
    %dma_wait3A_164 = tpu.memref_slice %arg7[%dma_wait3A_153] : memref<5x!tpu.dma_semaphore, #tpu.memory_space<semaphore_mem>> -> memref<1x!tpu.dma_semaphore, #tpu.memory_space<semaphore_mem>>
    %dma_wait3A_165 = tpu.memref_squeeze %dma_wait3A_164 : memref<1x!tpu.dma_semaphore, #tpu.memory_space<semaphore_mem>> -> memref<!tpu.dma_semaphore, #tpu.memory_space<semaphore_mem>>
    tpu.wait_indirect_dma semaphore(%dma_wait3A_165 : memref<!tpu.dma_semaphore, #tpu.memory_space<semaphore_mem>>) src(%dma_wait3A_163 : memref<1000000x64xf32, #tpu.memory_space<hbm>>) dst(%dma_wait3A_157 : memref<128x64xf32, #tpu.memory_space<vmem>>)
    %add3A_166 = arith.constant 47 : i32
    %add3A_167 = arith.addi %mul3A_2, %add3A_166 : i32
    %mul3A_168 = arith.constant 128 : i32
    %mul3A_169 = arith.muli %add3A_167, %mul3A_168 : i32
    %dma_start3A_170 = arith.constant 2 : i32
    %dma_start3A_171 = arith.constant 2 : i32
    %dma_start3A_172 = arith.constant 0 : i32
    %dma_start3A_173 = arith.constant 0 : i32
    %dma_start3A_174 = tpu.memref_slice %arg6[%dma_start3A_170, %dma_start3A_172, %dma_start3A_173] : memref<5x128x64xf32, #tpu.memory_space<vmem>> -> memref<1x128x64xf32, #tpu.memory_space<vmem>>
    %dma_start3A_175 = tpu.memref_squeeze %dma_start3A_174 : memref<1x128x64xf32, #tpu.memory_space<vmem>> -> memref<128x64xf32, #tpu.memory_space<vmem>>
    %dma_start3A_176 = arith.constant 0 : i32
    %dma_start3A_177 = tpu.memref_slice %arg4[%mul3A_169, %dma_start3A_176] : memref<204800x128xf32, #tpu.memory_space<hbm>> -> memref<128x64xf32, #tpu.memory_space<hbm>>
    %dma_start3A_178 = tpu.memref_slice %arg8[%dma_start3A_171] : memref<5x!tpu.dma_semaphore, #tpu.memory_space<semaphore_mem>> -> memref<1x!tpu.dma_semaphore, #tpu.memory_space<semaphore_mem>>
    %dma_start3A_179 = tpu.memref_squeeze %dma_start3A_178 : memref<1x!tpu.dma_semaphore, #tpu.memory_space<semaphore_mem>> -> memref<!tpu.dma_semaphore, #tpu.memory_space<semaphore_mem>>
    %dma_start3A_180 = arith.constant 0 : i32
    %dma_start3A_181 = tpu.memref_slice %arg4[%mul3A_169, %dma_start3A_180] : memref<204800x128xf32, #tpu.memory_space<hbm>> -> memref<128x64xf32, #tpu.memory_space<hbm>>
    %dma_start3A_182 = arith.constant 0 : i32
    %dma_start3A_183 = arith.constant 0 : i32
    %dma_start3A_184 = tpu.memref_slice %arg6[%dma_start3A_170, %dma_start3A_182, %dma_start3A_183] : memref<5x128x64xf32, #tpu.memory_space<vmem>> -> memref<1x128x64xf32, #tpu.memory_space<vmem>>
    %dma_start3A_185 = tpu.memref_squeeze %dma_start3A_184 : memref<1x128x64xf32, #tpu.memory_space<vmem>> -> memref<128x64xf32, #tpu.memory_space<vmem>>
    tpu.enqueue_dma source(%dma_start3A_185 : memref<128x64xf32, #tpu.memory_space<vmem>>) target(%dma_start3A_181 : memref<128x64xf32, #tpu.memory_space<hbm>>) target_semaphore(%dma_start3A_179 : memref<!tpu.dma_semaphore, #tpu.memory_space<semaphore_mem>>)
    %dma_wait3A_186 = arith.constant 0 : i32
    %dma_wait3A_187 = arith.constant 3 : i32
    %dma_wait3A_188 = arith.constant 3 : i32
    %dma_wait3A_189 = arith.constant 0 : i32
    %dma_wait3A_190 = arith.constant 0 : i32
    %dma_wait3A_191 = tpu.memref_slice %arg6[%dma_wait3A_187, %dma_wait3A_189, %dma_wait3A_190] : memref<5x128x64xf32, #tpu.memory_space<vmem>> -> memref<1x128x64xf32, #tpu.memory_space<vmem>>
    %dma_wait3A_192 = tpu.memref_squeeze %dma_wait3A_191 : memref<1x128x64xf32, #tpu.memory_space<vmem>> -> memref<128x64xf32, #tpu.memory_space<vmem>>
    %dma_wait3A_193 = arith.constant 0 : i32
    %dma_wait3A_194 = tpu.memref_slice %arg5[%dma_wait3A_186, %dma_wait3A_193] : memref<50x128xi32, #tpu.memory_space<vmem>> -> memref<1x128xi32, #tpu.memory_space<vmem>>
    %dma_wait3A_195 = tpu.memref_squeeze %dma_wait3A_194 : memref<1x128xi32, #tpu.memory_space<vmem>> -> memref<128xi32, #tpu.memory_space<vmem>>
    %dma_wait3A_196 = arith.constant 0 : i32
    %dma_wait3A_197 = arith.constant 0 : i32
    %dma_wait3A_198 = tpu.memref_slice %arg3[%dma_wait3A_196, %dma_wait3A_197] : memref<1000000x64xf32, #tpu.memory_space<hbm>> -> memref<1000000x64xf32, #tpu.memory_space<hbm>>
    %dma_wait3A_199 = tpu.memref_slice %arg7[%dma_wait3A_188] : memref<5x!tpu.dma_semaphore, #tpu.memory_space<semaphore_mem>> -> memref<1x!tpu.dma_semaphore, #tpu.memory_space<semaphore_mem>>
    %dma_wait3A_200 = tpu.memref_squeeze %dma_wait3A_199 : memref<1x!tpu.dma_semaphore, #tpu.memory_space<semaphore_mem>> -> memref<!tpu.dma_semaphore, #tpu.memory_space<semaphore_mem>>
    tpu.wait_indirect_dma semaphore(%dma_wait3A_200 : memref<!tpu.dma_semaphore, #tpu.memory_space<semaphore_mem>>) src(%dma_wait3A_198 : memref<1000000x64xf32, #tpu.memory_space<hbm>>) dst(%dma_wait3A_192 : memref<128x64xf32, #tpu.memory_space<vmem>>)
    %add3A_201 = arith.constant 48 : i32
    %add3A_202 = arith.addi %mul3A_2, %add3A_201 : i32
    %mul3A_203 = arith.constant 128 : i32
    %mul3A_204 = arith.muli %add3A_202, %mul3A_203 : i32
    %dma_start3A_205 = arith.constant 3 : i32
    %dma_start3A_206 = arith.constant 3 : i32
    %dma_start3A_207 = arith.constant 0 : i32
    %dma_start3A_208 = arith.constant 0 : i32
    %dma_start3A_209 = tpu.memref_slice %arg6[%dma_start3A_205, %dma_start3A_207, %dma_start3A_208] : memref<5x128x64xf32, #tpu.memory_space<vmem>> -> memref<1x128x64xf32, #tpu.memory_space<vmem>>
    %dma_start3A_210 = tpu.memref_squeeze %dma_start3A_209 : memref<1x128x64xf32, #tpu.memory_space<vmem>> -> memref<128x64xf32, #tpu.memory_space<vmem>>
    %dma_start3A_211 = arith.constant 0 : i32
    %dma_start3A_212 = tpu.memref_slice %arg4[%mul3A_204, %dma_start3A_211] : memref<204800x128xf32, #tpu.memory_space<hbm>> -> memref<128x64xf32, #tpu.memory_space<hbm>>
    %dma_start3A_213 = tpu.memref_slice %arg8[%dma_start3A_206] : memref<5x!tpu.dma_semaphore, #tpu.memory_space<semaphore_mem>> -> memref<1x!tpu.dma_semaphore, #tpu.memory_space<semaphore_mem>>
    %dma_start3A_214 = tpu.memref_squeeze %dma_start3A_213 : memref<1x!tpu.dma_semaphore, #tpu.memory_space<semaphore_mem>> -> memref<!tpu.dma_semaphore, #tpu.memory_space<semaphore_mem>>
    %dma_start3A_215 = arith.constant 0 : i32
    %dma_start3A_216 = tpu.memref_slice %arg4[%mul3A_204, %dma_start3A_215] : memref<204800x128xf32, #tpu.memory_space<hbm>> -> memref<128x64xf32, #tpu.memory_space<hbm>>
    %dma_start3A_217 = arith.constant 0 : i32
    %dma_start3A_218 = arith.constant 0 : i32
    %dma_start3A_219 = tpu.memref_slice %arg6[%dma_start3A_205, %dma_start3A_217, %dma_start3A_218] : memref<5x128x64xf32, #tpu.memory_space<vmem>> -> memref<1x128x64xf32, #tpu.memory_space<vmem>>
    %dma_start3A_220 = tpu.memref_squeeze %dma_start3A_219 : memref<1x128x64xf32, #tpu.memory_space<vmem>> -> memref<128x64xf32, #tpu.memory_space<vmem>>
    tpu.enqueue_dma source(%dma_start3A_220 : memref<128x64xf32, #tpu.memory_space<vmem>>) target(%dma_start3A_216 : memref<128x64xf32, #tpu.memory_space<hbm>>) target_semaphore(%dma_start3A_214 : memref<!tpu.dma_semaphore, #tpu.memory_space<semaphore_mem>>)
    %dma_wait3A_221 = arith.constant 0 : i32
    %dma_wait3A_222 = arith.constant 4 : i32
    %dma_wait3A_223 = arith.constant 4 : i32
    %dma_wait3A_224 = arith.constant 0 : i32
    %dma_wait3A_225 = arith.constant 0 : i32
    %dma_wait3A_226 = tpu.memref_slice %arg6[%dma_wait3A_222, %dma_wait3A_224, %dma_wait3A_225] : memref<5x128x64xf32, #tpu.memory_space<vmem>> -> memref<1x128x64xf32, #tpu.memory_space<vmem>>
    %dma_wait3A_227 = tpu.memref_squeeze %dma_wait3A_226 : memref<1x128x64xf32, #tpu.memory_space<vmem>> -> memref<128x64xf32, #tpu.memory_space<vmem>>
    %dma_wait3A_228 = arith.constant 0 : i32
    %dma_wait3A_229 = tpu.memref_slice %arg5[%dma_wait3A_221, %dma_wait3A_228] : memref<50x128xi32, #tpu.memory_space<vmem>> -> memref<1x128xi32, #tpu.memory_space<vmem>>
    %dma_wait3A_230 = tpu.memref_squeeze %dma_wait3A_229 : memref<1x128xi32, #tpu.memory_space<vmem>> -> memref<128xi32, #tpu.memory_space<vmem>>
    %dma_wait3A_231 = arith.constant 0 : i32
    %dma_wait3A_232 = arith.constant 0 : i32
    %dma_wait3A_233 = tpu.memref_slice %arg3[%dma_wait3A_231, %dma_wait3A_232] : memref<1000000x64xf32, #tpu.memory_space<hbm>> -> memref<1000000x64xf32, #tpu.memory_space<hbm>>
    %dma_wait3A_234 = tpu.memref_slice %arg7[%dma_wait3A_223] : memref<5x!tpu.dma_semaphore, #tpu.memory_space<semaphore_mem>> -> memref<1x!tpu.dma_semaphore, #tpu.memory_space<semaphore_mem>>
    %dma_wait3A_235 = tpu.memref_squeeze %dma_wait3A_234 : memref<1x!tpu.dma_semaphore, #tpu.memory_space<semaphore_mem>> -> memref<!tpu.dma_semaphore, #tpu.memory_space<semaphore_mem>>
    tpu.wait_indirect_dma semaphore(%dma_wait3A_235 : memref<!tpu.dma_semaphore, #tpu.memory_space<semaphore_mem>>) src(%dma_wait3A_233 : memref<1000000x64xf32, #tpu.memory_space<hbm>>) dst(%dma_wait3A_227 : memref<128x64xf32, #tpu.memory_space<vmem>>)
    %add3A_236 = arith.constant 49 : i32
    %add3A_237 = arith.addi %mul3A_2, %add3A_236 : i32
    %mul3A_238 = arith.constant 128 : i32
    %mul3A_239 = arith.muli %add3A_237, %mul3A_238 : i32
    %dma_start3A_240 = arith.constant 4 : i32
    %dma_start3A_241 = arith.constant 4 : i32
    %dma_start3A_242 = arith.constant 0 : i32
    %dma_start3A_243 = arith.constant 0 : i32
    %dma_start3A_244 = tpu.memref_slice %arg6[%dma_start3A_240, %dma_start3A_242, %dma_start3A_243] : memref<5x128x64xf32, #tpu.memory_space<vmem>> -> memref<1x128x64xf32, #tpu.memory_space<vmem>>
    %dma_start3A_245 = tpu.memref_squeeze %dma_start3A_244 : memref<1x128x64xf32, #tpu.memory_space<vmem>> -> memref<128x64xf32, #tpu.memory_space<vmem>>
    %dma_start3A_246 = arith.constant 0 : i32
    %dma_start3A_247 = tpu.memref_slice %arg4[%mul3A_239, %dma_start3A_246] : memref<204800x128xf32, #tpu.memory_space<hbm>> -> memref<128x64xf32, #tpu.memory_space<hbm>>
    %dma_start3A_248 = tpu.memref_slice %arg8[%dma_start3A_241] : memref<5x!tpu.dma_semaphore, #tpu.memory_space<semaphore_mem>> -> memref<1x!tpu.dma_semaphore, #tpu.memory_space<semaphore_mem>>
    %dma_start3A_249 = tpu.memref_squeeze %dma_start3A_248 : memref<1x!tpu.dma_semaphore, #tpu.memory_space<semaphore_mem>> -> memref<!tpu.dma_semaphore, #tpu.memory_space<semaphore_mem>>
    %dma_start3A_250 = arith.constant 0 : i32
    %dma_start3A_251 = tpu.memref_slice %arg4[%mul3A_239, %dma_start3A_250] : memref<204800x128xf32, #tpu.memory_space<hbm>> -> memref<128x64xf32, #tpu.memory_space<hbm>>
    %dma_start3A_252 = arith.constant 0 : i32
    %dma_start3A_253 = arith.constant 0 : i32
    %dma_start3A_254 = tpu.memref_slice %arg6[%dma_start3A_240, %dma_start3A_252, %dma_start3A_253] : memref<5x128x64xf32, #tpu.memory_space<vmem>> -> memref<1x128x64xf32, #tpu.memory_space<vmem>>
    %dma_start3A_255 = tpu.memref_squeeze %dma_start3A_254 : memref<1x128x64xf32, #tpu.memory_space<vmem>> -> memref<128x64xf32, #tpu.memory_space<vmem>>
    tpu.enqueue_dma source(%dma_start3A_255 : memref<128x64xf32, #tpu.memory_space<vmem>>) target(%dma_start3A_251 : memref<128x64xf32, #tpu.memory_space<hbm>>) target_semaphore(%dma_start3A_249 : memref<!tpu.dma_semaphore, #tpu.memory_space<semaphore_mem>>)
    %dma_wait3A_256 = arith.constant 0 : i32
    %dma_wait3A_257 = arith.constant 0 : i32
    %dma_wait3A_258 = arith.constant 0 : i32
    %dma_wait3A_259 = arith.constant 0 : i32
    %dma_wait3A_260 = tpu.memref_slice %arg6[%dma_wait3A_256, %dma_wait3A_258, %dma_wait3A_259] : memref<5x128x64xf32, #tpu.memory_space<vmem>> -> memref<1x128x64xf32, #tpu.memory_space<vmem>>
    %dma_wait3A_261 = tpu.memref_squeeze %dma_wait3A_260 : memref<1x128x64xf32, #tpu.memory_space<vmem>> -> memref<128x64xf32, #tpu.memory_space<vmem>>
    %dma_wait3A_262 = arith.constant 0 : i32
    %dma_wait3A_263 = arith.constant 0 : i32
    %dma_wait3A_264 = tpu.memref_slice %arg4[%dma_wait3A_262, %dma_wait3A_263] : memref<204800x128xf32, #tpu.memory_space<hbm>> -> memref<128x64xf32, #tpu.memory_space<hbm>>
    %dma_wait3A_265 = tpu.memref_slice %arg8[%dma_wait3A_257] : memref<5x!tpu.dma_semaphore, #tpu.memory_space<semaphore_mem>> -> memref<1x!tpu.dma_semaphore, #tpu.memory_space<semaphore_mem>>
    %dma_wait3A_266 = tpu.memref_squeeze %dma_wait3A_265 : memref<1x!tpu.dma_semaphore, #tpu.memory_space<semaphore_mem>> -> memref<!tpu.dma_semaphore, #tpu.memory_space<semaphore_mem>>
    %dma_wait3A_267 = arith.constant 0 : i32
    %dma_wait3A_268 = arith.constant 0 : i32
    %dma_wait3A_269 = tpu.memref_slice %arg4[%dma_wait3A_267, %dma_wait3A_268] : memref<204800x128xf32, #tpu.memory_space<hbm>> -> memref<128x64xf32, #tpu.memory_space<hbm>>
    %dma_wait3A_270 = arith.constant 0 : i32
    %dma_wait3A_271 = arith.constant 0 : i32
    %dma_wait3A_272 = tpu.memref_slice %arg6[%dma_wait3A_256, %dma_wait3A_270, %dma_wait3A_271] : memref<5x128x64xf32, #tpu.memory_space<vmem>> -> memref<1x128x64xf32, #tpu.memory_space<vmem>>
    %dma_wait3A_273 = tpu.memref_squeeze %dma_wait3A_272 : memref<1x128x64xf32, #tpu.memory_space<vmem>> -> memref<128x64xf32, #tpu.memory_space<vmem>>
    tpu.wait_dma2 semaphore(%dma_wait3A_266 : memref<!tpu.dma_semaphore, #tpu.memory_space<semaphore_mem>>) src(%dma_wait3A_273 : memref<128x64xf32, #tpu.memory_space<vmem>>) dst(%dma_wait3A_269 : memref<128x64xf32, #tpu.memory_space<hbm>>)
    %dma_wait3A_274 = arith.constant 1 : i32
    %dma_wait3A_275 = arith.constant 1 : i32
    %dma_wait3A_276 = arith.constant 0 : i32
    %dma_wait3A_277 = arith.constant 0 : i32
    %dma_wait3A_278 = tpu.memref_slice %arg6[%dma_wait3A_274, %dma_wait3A_276, %dma_wait3A_277] : memref<5x128x64xf32, #tpu.memory_space<vmem>> -> memref<1x128x64xf32, #tpu.memory_space<vmem>>
    %dma_wait3A_279 = tpu.memref_squeeze %dma_wait3A_278 : memref<1x128x64xf32, #tpu.memory_space<vmem>> -> memref<128x64xf32, #tpu.memory_space<vmem>>
    %dma_wait3A_280 = arith.constant 0 : i32
    %dma_wait3A_281 = arith.constant 0 : i32
    %dma_wait3A_282 = tpu.memref_slice %arg4[%dma_wait3A_280, %dma_wait3A_281] : memref<204800x128xf32, #tpu.memory_space<hbm>> -> memref<128x64xf32, #tpu.memory_space<hbm>>
    %dma_wait3A_283 = tpu.memref_slice %arg8[%dma_wait3A_275] : memref<5x!tpu.dma_semaphore, #tpu.memory_space<semaphore_mem>> -> memref<1x!tpu.dma_semaphore, #tpu.memory_space<semaphore_mem>>
    %dma_wait3A_284 = tpu.memref_squeeze %dma_wait3A_283 : memref<1x!tpu.dma_semaphore, #tpu.memory_space<semaphore_mem>> -> memref<!tpu.dma_semaphore, #tpu.memory_space<semaphore_mem>>
    %dma_wait3A_285 = arith.constant 0 : i32
    %dma_wait3A_286 = arith.constant 0 : i32
    %dma_wait3A_287 = tpu.memref_slice %arg4[%dma_wait3A_285, %dma_wait3A_286] : memref<204800x128xf32, #tpu.memory_space<hbm>> -> memref<128x64xf32, #tpu.memory_space<hbm>>
    %dma_wait3A_288 = arith.constant 0 : i32
    %dma_wait3A_289 = arith.constant 0 : i32
    %dma_wait3A_290 = tpu.memref_slice %arg6[%dma_wait3A_274, %dma_wait3A_288, %dma_wait3A_289] : memref<5x128x64xf32, #tpu.memory_space<vmem>> -> memref<1x128x64xf32, #tpu.memory_space<vmem>>
    %dma_wait3A_291 = tpu.memref_squeeze %dma_wait3A_290 : memref<1x128x64xf32, #tpu.memory_space<vmem>> -> memref<128x64xf32, #tpu.memory_space<vmem>>
    tpu.wait_dma2 semaphore(%dma_wait3A_284 : memref<!tpu.dma_semaphore, #tpu.memory_space<semaphore_mem>>) src(%dma_wait3A_291 : memref<128x64xf32, #tpu.memory_space<vmem>>) dst(%dma_wait3A_287 : memref<128x64xf32, #tpu.memory_space<hbm>>)
    %dma_wait3A_292 = arith.constant 2 : i32
    %dma_wait3A_293 = arith.constant 2 : i32
    %dma_wait3A_294 = arith.constant 0 : i32
    %dma_wait3A_295 = arith.constant 0 : i32
    %dma_wait3A_296 = tpu.memref_slice %arg6[%dma_wait3A_292, %dma_wait3A_294, %dma_wait3A_295] : memref<5x128x64xf32, #tpu.memory_space<vmem>> -> memref<1x128x64xf32, #tpu.memory_space<vmem>>
    %dma_wait3A_297 = tpu.memref_squeeze %dma_wait3A_296 : memref<1x128x64xf32, #tpu.memory_space<vmem>> -> memref<128x64xf32, #tpu.memory_space<vmem>>
    %dma_wait3A_298 = arith.constant 0 : i32
    %dma_wait3A_299 = arith.constant 0 : i32
    %dma_wait3A_300 = tpu.memref_slice %arg4[%dma_wait3A_298, %dma_wait3A_299] : memref<204800x128xf32, #tpu.memory_space<hbm>> -> memref<128x64xf32, #tpu.memory_space<hbm>>
    %dma_wait3A_301 = tpu.memref_slice %arg8[%dma_wait3A_293] : memref<5x!tpu.dma_semaphore, #tpu.memory_space<semaphore_mem>> -> memref<1x!tpu.dma_semaphore, #tpu.memory_space<semaphore_mem>>
    %dma_wait3A_302 = tpu.memref_squeeze %dma_wait3A_301 : memref<1x!tpu.dma_semaphore, #tpu.memory_space<semaphore_mem>> -> memref<!tpu.dma_semaphore, #tpu.memory_space<semaphore_mem>>
    %dma_wait3A_303 = arith.constant 0 : i32
    %dma_wait3A_304 = arith.constant 0 : i32
    %dma_wait3A_305 = tpu.memref_slice %arg4[%dma_wait3A_303, %dma_wait3A_304] : memref<204800x128xf32, #tpu.memory_space<hbm>> -> memref<128x64xf32, #tpu.memory_space<hbm>>
    %dma_wait3A_306 = arith.constant 0 : i32
    %dma_wait3A_307 = arith.constant 0 : i32
    %dma_wait3A_308 = tpu.memref_slice %arg6[%dma_wait3A_292, %dma_wait3A_306, %dma_wait3A_307] : memref<5x128x64xf32, #tpu.memory_space<vmem>> -> memref<1x128x64xf32, #tpu.memory_space<vmem>>
    %dma_wait3A_309 = tpu.memref_squeeze %dma_wait3A_308 : memref<1x128x64xf32, #tpu.memory_space<vmem>> -> memref<128x64xf32, #tpu.memory_space<vmem>>
    tpu.wait_dma2 semaphore(%dma_wait3A_302 : memref<!tpu.dma_semaphore, #tpu.memory_space<semaphore_mem>>) src(%dma_wait3A_309 : memref<128x64xf32, #tpu.memory_space<vmem>>) dst(%dma_wait3A_305 : memref<128x64xf32, #tpu.memory_space<hbm>>)
    %dma_wait3A_310 = arith.constant 3 : i32
    %dma_wait3A_311 = arith.constant 3 : i32
    %dma_wait3A_312 = arith.constant 0 : i32
    %dma_wait3A_313 = arith.constant 0 : i32
    %dma_wait3A_314 = tpu.memref_slice %arg6[%dma_wait3A_310, %dma_wait3A_312, %dma_wait3A_313] : memref<5x128x64xf32, #tpu.memory_space<vmem>> -> memref<1x128x64xf32, #tpu.memory_space<vmem>>
    %dma_wait3A_315 = tpu.memref_squeeze %dma_wait3A_314 : memref<1x128x64xf32, #tpu.memory_space<vmem>> -> memref<128x64xf32, #tpu.memory_space<vmem>>
    %dma_wait3A_316 = arith.constant 0 : i32
    %dma_wait3A_317 = arith.constant 0 : i32
    %dma_wait3A_318 = tpu.memref_slice %arg4[%dma_wait3A_316, %dma_wait3A_317] : memref<204800x128xf32, #tpu.memory_space<hbm>> -> memref<128x64xf32, #tpu.memory_space<hbm>>
    %dma_wait3A_319 = tpu.memref_slice %arg8[%dma_wait3A_311] : memref<5x!tpu.dma_semaphore, #tpu.memory_space<semaphore_mem>> -> memref<1x!tpu.dma_semaphore, #tpu.memory_space<semaphore_mem>>
    %dma_wait3A_320 = tpu.memref_squeeze %dma_wait3A_319 : memref<1x!tpu.dma_semaphore, #tpu.memory_space<semaphore_mem>> -> memref<!tpu.dma_semaphore, #tpu.memory_space<semaphore_mem>>
    %dma_wait3A_321 = arith.constant 0 : i32
    %dma_wait3A_322 = arith.constant 0 : i32
    %dma_wait3A_323 = tpu.memref_slice %arg4[%dma_wait3A_321, %dma_wait3A_322] : memref<204800x128xf32, #tpu.memory_space<hbm>> -> memref<128x64xf32, #tpu.memory_space<hbm>>
    %dma_wait3A_324 = arith.constant 0 : i32
    %dma_wait3A_325 = arith.constant 0 : i32
    %dma_wait3A_326 = tpu.memref_slice %arg6[%dma_wait3A_310, %dma_wait3A_324, %dma_wait3A_325] : memref<5x128x64xf32, #tpu.memory_space<vmem>> -> memref<1x128x64xf32, #tpu.memory_space<vmem>>
    %dma_wait3A_327 = tpu.memref_squeeze %dma_wait3A_326 : memref<1x128x64xf32, #tpu.memory_space<vmem>> -> memref<128x64xf32, #tpu.memory_space<vmem>>
    tpu.wait_dma2 semaphore(%dma_wait3A_320 : memref<!tpu.dma_semaphore, #tpu.memory_space<semaphore_mem>>) src(%dma_wait3A_327 : memref<128x64xf32, #tpu.memory_space<vmem>>) dst(%dma_wait3A_323 : memref<128x64xf32, #tpu.memory_space<hbm>>)
    %dma_wait3A_328 = arith.constant 4 : i32
    %dma_wait3A_329 = arith.constant 4 : i32
    %dma_wait3A_330 = arith.constant 0 : i32
    %dma_wait3A_331 = arith.constant 0 : i32
    %dma_wait3A_332 = tpu.memref_slice %arg6[%dma_wait3A_328, %dma_wait3A_330, %dma_wait3A_331] : memref<5x128x64xf32, #tpu.memory_space<vmem>> -> memref<1x128x64xf32, #tpu.memory_space<vmem>>
    %dma_wait3A_333 = tpu.memref_squeeze %dma_wait3A_332 : memref<1x128x64xf32, #tpu.memory_space<vmem>> -> memref<128x64xf32, #tpu.memory_space<vmem>>
    %dma_wait3A_334 = arith.constant 0 : i32
    %dma_wait3A_335 = arith.constant 0 : i32
    %dma_wait3A_336 = tpu.memref_slice %arg4[%dma_wait3A_334, %dma_wait3A_335] : memref<204800x128xf32, #tpu.memory_space<hbm>> -> memref<128x64xf32, #tpu.memory_space<hbm>>
    %dma_wait3A_337 = tpu.memref_slice %arg8[%dma_wait3A_329] : memref<5x!tpu.dma_semaphore, #tpu.memory_space<semaphore_mem>> -> memref<1x!tpu.dma_semaphore, #tpu.memory_space<semaphore_mem>>
    %dma_wait3A_338 = tpu.memref_squeeze %dma_wait3A_337 : memref<1x!tpu.dma_semaphore, #tpu.memory_space<semaphore_mem>> -> memref<!tpu.dma_semaphore, #tpu.memory_space<semaphore_mem>>
    %dma_wait3A_339 = arith.constant 0 : i32
    %dma_wait3A_340 = arith.constant 0 : i32
    %dma_wait3A_341 = tpu.memref_slice %arg4[%dma_wait3A_339, %dma_wait3A_340] : memref<204800x128xf32, #tpu.memory_space<hbm>> -> memref<128x64xf32, #tpu.memory_space<hbm>>
    %dma_wait3A_342 = arith.constant 0 : i32
    %dma_wait3A_343 = arith.constant 0 : i32
    %dma_wait3A_344 = tpu.memref_slice %arg6[%dma_wait3A_328, %dma_wait3A_342, %dma_wait3A_343] : memref<5x128x64xf32, #tpu.memory_space<vmem>> -> memref<1x128x64xf32, #tpu.memory_space<vmem>>
    %dma_wait3A_345 = tpu.memref_squeeze %dma_wait3A_344 : memref<1x128x64xf32, #tpu.memory_space<vmem>> -> memref<128x64xf32, #tpu.memory_space<vmem>>
    tpu.wait_dma2 semaphore(%dma_wait3A_338 : memref<!tpu.dma_semaphore, #tpu.memory_space<semaphore_mem>>) src(%dma_wait3A_345 : memref<128x64xf32, #tpu.memory_space<vmem>>) dst(%dma_wait3A_341 : memref<128x64xf32, #tpu.memory_space<hbm>>)
    return
  }
}

</mosaic_0001>

<sc_bundles>
// kernel: _sc_gather.3.cloned.1.call-start
scs
__scs_entry_jumppad:
0x0: {  	(pc) =	sbr.rel $0x88, $3  }
0x1: {  	(tag) =	ssettag $0x0;
	lr =	simm.s32 $0x1  }
0x2: {  	[smem:$0x3F9F] =	sst lr;
	_ =	strace $0xD0000000  }
0x3: {  	_ = 	snop  }
0x4: {  	_ = 	snop  }
0x5: {  	_ = 	snop  }
0x6: {  	_ = 	snop  }
0x7: {  	_ = 	snop  }
__scs_overlays_trampoline_lowered:
0x8: {  	[smem:$0x3FAE] =	sst s0  }
0x9: {  	[smem:$0x3FAF] =	sst s1  }
0xa: {  	[smem:$0x3FB0] =	sst s2  }
0xb: {  	[smem:$0x3FB1] =	sst s3  }
0xc: {  	[smem:$0x3FB2] =	sst s4  }
0xd: {  	[smem:$0x3FB3] =	sst s5  }
0xe: {  	[smem:$0x3FB4] =	sst s6  }
0xf: {  	[smem:$0x3FB5] =	sst s7  }
0x10: {  	[smem:$0x3FB6] =	sst s8  }
0x11: {  	[smem:$0x3FB7] =	sst s9;
	s0 =	simm.s32 @!p0 $0x0  }
0x12: {  	s1 =	sld [smem:$0x3F9D];
	s0 =	simm.s32 @p0 $0x1  }
0x13: {  	[smem:$0x3FB8] =	sst s0;
	s0 =	simm.s32 @!p1 $0x0  }
0x14: {  	s2 =	sld [smem:$0x3F9C];
	s0 =	simm.s32 @p1 $0x1  }
0x15: {  	[smem:$0x3FB9] =	sst s0;
	s0 =	simm.s32 @!p2 $0x0  }
0x16: {  	s3 =	sld [smem:$0x3FDB];
	s0 =	simm.s32 @p2 $0x1  }
0x17: {  	s4 =	simm.s32 $0x1BF5;
	[smem:$0x3FBB] =	sst s0  }
0x18: {  	s0 =	sld [smem:$0x3F9E];
	_ =	swait.ge [sflag:s4], $0x0  }
0x19: {  	s7 =	sld [smem:$0x3F9F]  }
0x1a: {  	s8 =	sadd.s32 $0xFFFFE003, lr  }
0x1b: {  	s9 =	sadd.s32 $0xFFFFFEF7, lr;
	s5 =	simm.s32 $0xFFFFFFFF;
	p2 =	slt.u32 s8, $0xFFFFF086  }
0x1c: {  	p1 =	slt.u32 s9, $0xF7A;
	s5 =	simm.s32 @!p2 $0x0  }
0x1d: {  	s5 =	simm.s32 @p1 $0x1;
	p0 =	seq.s32 s7, s2  }
0x1e: {  	s7 =	smul.u32 @!p0 $0xF7A, s2;
	p2 =	seq.s32 @!p0 s5, $0x0  }
0x1f: {  	s9 =	smul.u32 $0xF7A, s1;
	s8 =	simm.s32 @!p0 $0x1BF5;
	p2 =	por !p2, p0  }
0x20: {  	[sflag:s8] =	ssyncset.s32 @!p0 $0xFFFFF086;
	s6 =	sadd.s32 @!p0 s3, s7;
	s7 =	simm.s32 @!p0 $0x108  }
0x21: {  	s3 =	sadd.s32 s3, s9;
	s6 =	sadd.s32 @!p0 $0x88, s6;
	s7 =	simm.s32 @p2 $0x1082  }
0x22: {  	[simem:s7], [sflag:s8] =	dma.local @!p0 [hbm:s6], $0xF7A  }
0x23: {  	s9 =	sor.u32 $0xD0000000, s2;
	s6 =	simm.s32 $0x108;
	_ =	swait.ge @!p0 [sflag:s8], $0x0  }
0x24: {  	s3 =	sadd.s32 $0x88, s3;
	s6 =	simm.s32 @!p1 $0x1082;
	[sflag:s4] =	ssyncset.s32 $0xFFFFF086  }
0x25: {  	[simem:s6], [sflag:s4] =	dma.local [hbm:s3], $0xF7A  }
0x26: {  	[smem:$0x3F9F] =	sst s1;
	(tag) =	ssettag s2;
	_ =	strace s9  }
0x27: {  	s1 =	sld [smem:$0x3FAF]  }
0x28: {  	s2 =	sld [smem:$0x3FB0]  }
0x29: {  	s4 =	sld [smem:$0x3FB2]  }
0x2a: {  	p0 =	seq.s32 s5, $0x0;
	s5 =	sld [smem:$0x3FB3]  }
0x2b: {  	s6 =	sld [smem:$0x3FB4]  }
0x2c: {  	s7 =	sld [smem:$0x3FB5]  }
0x2d: {  	s3 =	simm.s32 $0x108;
	s8 =	sld [smem:$0x3FB6]  }
0x2e: {  	s3 =	simm.s32 @!p0 $0x1082;
	s9 =	sld [smem:$0x3FB7]  }
0x2f: {  	lr =	sadd.s32 s0, s3;
	s0 =	sld [smem:$0x3FAE]  }
0x30: {  	s3 =	sld [smem:$0x3FB1]  }
0x31: {  	[smem:$0x3FBA] =	sst s10  }
0x32: {  	s10 =	sld [smem:$0x3FB8];
	_ =	sdelay $0x3  }
0x33: {  	p0 =	seq.s32 s10, $0x1;
	s10 =	sld [smem:$0x3FBA];
	_ =	sdelay $0x3  }
0x34: {  	[smem:$0x3FBA] =	sst s10  }
0x35: {  	s10 =	sld [smem:$0x3FB9];
	_ =	sdelay $0x3  }
0x36: {  	p1 =	seq.s32 s10, $0x1;
	s10 =	sld [smem:$0x3FBA];
	_ =	sdelay $0x3  }
0x37: {  	[smem:$0x3FBA] =	sst s10  }
0x38: {  	s10 =	sld [smem:$0x3FBB]  }
0x39: {  	_ = 	snop;
	(pc) =	sbr.ind lr, $3  }
0x3a: {  	_ = 	snop  }
0x3b: {  	_ = 	snop  }
0x3c: {  	p2 =	seq.s32 s10, $0x1;
	s10 =	sld [smem:$0x3FBA]  }
0x3d: {  	_ =	shalt  }
0x3e: {  	_ =	shalt  }
0x3f: {  	_ =	shalt  }
0x40: {  	_ =	shalt  }
0x41: {  	_ =	shalt  }
0x42: {  	_ =	shalt  }
0x43: {  	_ =	shalt  }
0x44: {  	_ =	shalt  }
0x45: {  	_ =	shalt  }
0x46: {  	_ =	shalt  }
0x47: {  	_ =	shalt  }
0x48: {  	_ =	shalt  }
0x49: {  	_ =	shalt  }
0x4a: {  	_ =	shalt  }
0x4b: {  	_ =	shalt  }
0x4c: {  	_ =	shalt  }
0x4d: {  	_ =	shalt  }
0x4e: {  	_ =	shalt  }
0x4f: {  	_ =	shalt  }
0x50: {  	_ =	shalt  }
0x51: {  	_ =	shalt  }
0x52: {  	_ =	shalt  }
0x53: {  	_ =	shalt  }
0x54: {  	_ =	shalt  }
0x55: {  	_ =	shalt  }
0x56: {  	_ =	shalt  }
0x57: {  	_ =	shalt  }
0x58: {  	_ =	shalt  }
0x59: {  	_ =	shalt  }
0x5a: {  	_ =	shalt  }
0x5b: {  	_ =	shalt  }
0x5c: {  	_ =	shalt  }
0x5d: {  	_ =	shalt  }
0x5e: {  	_ =	shalt  }
0x5f: {  	_ =	shalt  }
0x60: {  	_ =	shalt  }
0x61: {  	_ =	shalt  }
0x62: {  	_ =	shalt  }
0x63: {  	_ =	shalt  }
0x64: {  	_ =	shalt  }
0x65: {  	_ =	shalt  }
0x66: {  	_ =	shalt  }
0x67: {  	_ =	shalt  }
0x68: {  	_ =	shalt  }
0x69: {  	_ =	shalt  }
0x6a: {  	_ =	shalt  }
0x6b: {  	_ =	shalt  }
0x6c: {  	_ =	shalt  }
0x6d: {  	_ =	shalt  }
0x6e: {  	_ =	shalt  }
0x6f: {  	_ =	shalt  }
0x70: {  	_ =	shalt  }
0x71: {  	_ =	shalt  }
0x72: {  	_ =	shalt  }
0x73: {  	_ =	shalt  }
0x74: {  	_ =	shalt  }
0x75: {  	_ =	shalt  }
0x76: {  	_ =	shalt  }
0x77: {  	_ =	shalt  }
0x78: {  	_ =	shalt  }
0x79: {  	_ =	shalt  }
0x7a: {  	_ =	shalt  }
0x7b: {  	_ =	shalt  }
0x7c: {  	_ =	shalt  }
0x7d: {  	_ =	shalt  }
0x7e: {  	_ =	shalt  }
0x7f: {  	_ =	shalt  }
0x80: {  	_ =	shalt  }
0x81: {  	_ =	shalt  }
0x82: {  	_ =	shalt  }
0x83: {  	_ =	shalt  }
0x84: {  	_ =	shalt  }
0x85: {  	_ =	shalt  }
0x86: {  	_ =	shalt  }
0x87: {  	_ =	shalt  }
.Lfunc_end0:
.L_simem_size_0:
called_computation_lowered:
.L_overlay_start_0:
0x88: {  	s2 =	sld [smem:$0x3FD9]  }
0x89: {  	s3 =	sld [smem:$0x3FFE];
	_ =	sdelay $0x1  }
0x8a: {  	s1 =	srdreg.scid  }
0x8b: {  	s0 =	sand.u32 $0x1, s1  }
0x8c: {  	s17 =	sshll.u32 s0, $0xA;
	s2 =	sadd.s32 s3, s2  }
0x8d: {  	s2 =	sadd.s32 s2, s17  }
0x8e: {  	[smem:$0x3FC6] =	sst s2  }
0x8f: {  	_ = 	snop  }
0x90: {  	s2 =	sld [smem:$0x3FD0];
	(tm) =	ssettm $0x1  }
0x91: {  	s18 =	sld [smem:$0x3FFB];
	_ =	sdelay $0x3  }
0x92: {  	_ =	strace s18  }
0x93: {  	s3 =	sld [smem:$0x3FFC];
	_ =	sdelay $0x3  }
0x94: {  	_ =	strace s3  }
0x95: {  	s3 =	sld [smem:$0x3FFD];
	_ =	sdelay $0x3  }
0x96: {  	_ =	strace s3  }
0x97: {  	_ =	strace $0x8FFFFFFF  }
0x98: {  	s19 =	sld [smem:$0x3FDB];
	_ =	sdelay $0x1  }
0x99: {  	s4 =	simm.s32 $_scs_section_size  }
0x9a: {  	s5 =	simm.s32 $_size__tile_overlayer_lowered;
	s6 =	simm.s32 $_tile_overlayer_lowered  }
0x9b: {  	s22 =	simm.s32 $0x1BFF;
	s21 =	sshll.u32 s6, $0x1;
	s3 =	sadd.s32 s4, s19  }
0x9c: {  	s7 =	simm.s32 $0x0;
	s20 =	sshll.u32 s5, $0x1;
	s5 =	sadd.s32 s21, s3  }
0x9d: {  	[timem:s7], [sflag:s22] =	dma.local [hbm:s5], s20  }
0x9e: {  	_ =	swait.ge [sflag:s22], s20  }
0x9f: {  	s4 =	ssub.s32 $0x0, s20;
	[sflag:s22] =	ssyncset.done $0x0  }
0xa0: {  	[sflag:s22] =	ssyncadd.s32 s4;
	_ =	sdelay $0x1  }
0xa1: {  	s23 =	simm.s32 $0x1B8B  }
0xa2: {  	_ =	swait.ge [sflag:s23], $0x1  }
0xa3: {  	[sflag:s23] =	ssyncset.done $0x0  }
0xa4: {  	s25 =	simm.s32 $0x1B8E;
	s24 =	sld [smem:$0x3FFE];
	[sflag:s23] =	ssyncadd.s32 $0xFFFFFFFF  }
0xa5: {  	s26 =	simm.s32 $execute0_lowered;
	[smem:$0x3FD2] =	sst s25  }
0xa6: {  	s5 =	sshll.u32 s26, $0x1;
	_ =	strace $0x80000046;
	[dreg:$0x1] =	wrdreg $0xFFFFFFFF  }
0xa7: {  	s28 =	simm.s32 $_size_execute0_lowered;
	s3 =	sadd.s32 s3, s5;
	[dreg:$0x0] =	wrdreg $0x0  }
0xa8: {  	s5 =	sshll.u32 s28, $0x1;
	[dreg:$0x2] =	wrdreg s3  }
0xa9: {  	[dreg:$0x3] =	wrdreg s5  }
0xaa: {  	[dreg:$0x4] =	wrdreg $0xC0  }
0xab: {  	_ =	task [dreg:s7], $0x5FFFF  }
0xac: {  	[dreg:$0x1] =	wrdreg $0xFFFFFFFF  }
0xad: {  	[dreg:$0x0] =	wrdreg $0x60  }
0xae: {  	[dreg:$0x2] =	wrdreg s24  }
0xaf: {  	[dreg:$0x3] =	wrdreg s2  }
0xb0: {  	[dreg:$0x4] =	wrdreg $0x9  }
0xb1: {  	_ =	task.clear_ibuf [dreg:s7], $0x5FFFF;
	_ =	strace $0x90000046  }
0xb2: {  	s29 =	simm.s32 $0x9;
	_ =	strace $0x80000048  }
0xb3: {  	_ =	swait.ge [sflag:s29], $0x1  }
0xb4: {  	[sflag:s29] =	ssyncadd.s32 $0xFFFFFFFF  }
0xb5: {  	_ =	strace $0x90000048  }
0xb6: {  	_ =	sfence  }
0xb7: {  	s30 =	sld [smem:$0x0];
	_ =	sdelay $0x2  }
0xb8: {  	s31 =	sshll.u32 s1, $0xD;
	s1 =	sshrl.u32 s1, $0x2  }
0xb9: {  	s3 =	sand.u32 $0x4000, s31;
	s1 =	sadd.s32 s1, s30  }
0xba: {  	s0 =	sor.u32 s3, s0;
	s1 =	sshll.u32 s1, $0x11  }
0xbb: {  	s0 =	sor.u32 s1, s0  }
0xbc: {  	s0 =	sadd.s32 $0x8F2B, s0  }
0xbd: {  	[sflag:s0] =	ssyncadd.remote.s32 $0x1  }
0xbe: {  	_ =	sfence.sel $0xFFFF  }
0xbf: {  	[dreg:$0x0] =	wrdreg $0xFFFFFFFF;
	(pc) =	sbr.abs _section_cstart, $3  }
0xc0: {  	[dreg:$0x1] =	wrdreg $0xFFFFFFFF  }
0xc1: {  	_ =	task.clear_ibuf [dreg:s7], $0x2FFFF;
	_ =	strace $0x9FFFFFFF  }
0xc2: {  	(tm) =	ssettm $0x7FFFFFFF  }
0xc3: {  	_ =	shalt  }
tec
execute0_lowered:
.L_overlay_start_1:
0x0: {  	(tag) =	ssettag $0x1  }
0x1: {  	s0 =	rddreg [dreg:$0x0];
	s1 =	srdreg.scid  }
0x2: {  	s8 =	stileid.u32;
	s2 =	rddreg [dreg:$0x1]  }
0x3: {  	s4 =	simm.s32 $0x0;
	s15 =	simm.s32 $0xB;
	s16 =	simm.s32 $0x80  }
0x4: {  	s28 =	simm.s32 $0x6;
	s29 =	simm.s32 $0x2;
	s7 =	smul.u32 $0x64, s8  }
0x5: {  	s30 =	simm.s32 $0x7;
	s1 =	sand.u32 $0x1, s1;
	s25 =	smul.u32 $0x32000, s8  }
0x6: {  	s3 =	sshll.u32 s8, $0x1;
	[smem:$0x7FF] =	sst s4;
	s19 =	smul.u32 $0x32, s1  }
0x7: {  	s3 =	sor.u32 s1, s3;
	s18 =	ssub.s32 $0x2, s1;
	s1 =	smul.u32 $0x19000, s1  }
0x8: {  	s31 =	simm.s32 $0x3;
	_ =	strace $0x80000047;
	s17 =	smul.u32 $0x320, s3  }
0x9: {  	s5 =	smul.u32 $0xC8000, s3;
	s3 =	sadd.s32 $0xF42A00, s0;
	s6 =	sshrl.u32 s18, $0x1  }
0xa: {  	s24 =	sadd.s32 s19, s7;
	s19 =	simm.s32 $0x9;
	s4 =	sadd.s32 s17, s0  }
0xb: {  	s5 =	sshrl.u32 s5, $0x3;
	s0 =	ssub.s32 s18, s6;
	s4 =	sadd.s32 $0x600, s4  }
0xc: {  	s5 =	sadd.s32 s2, s5;
	s0 =	smax.u32 s0, $0x1;
	[dreg:$0x3] =	wrdreg s4  }
0xd: {  	s17 =	simm.s32 $0x1900;
	s20 =	sadd.s32 $0x16800, s5;
	[dreg:$0x9] =	wrdreg s0  }
0xe: {  	s18 =	simm.s32 $0x3900;
	s21 =	sadd.s32 $0x17000, s5;
	[dreg:$0x4] =	wrdreg s20  }
0xf: {  	s22 =	sadd.s32 $0x17800, s5;
	s23 =	sadd.s32 $0x18000, s5;
	[dreg:$0x5] =	wrdreg s21  }
0x10: {  	s5 =	sadd.s32 $0x18800, s5;
	s4 =	sshll.u32 s24, $0xB;
	[dreg:$0x6] =	wrdreg s22  }
0x11: {  	s24 =	simm.s32 $0x9900;
	s0 =	simm.s32 $0x4;
	[dreg:$0x7] =	wrdreg s23  }
0x12: {  	[dreg:$0x8] =	wrdreg s5;
	s26 =	sadd.s32 s4, s2;
	s2 =	sadd.s32 s25, s2  }
0x13: {  	s20 =	simm.s32 $0x5900;
	s22 =	simm.s32 $0x7900;
	s25 =	simm.s32 $0x1  }
0x14: {  	s21 =	simm.s32 $0x5;
	s23 =	simm.s32 $0xA;
	s11 =	sadd.s32 $0x2000, s26  }
0x15: {  	s12 =	sadd.s32 $0x1800, s26;
	s13 =	sadd.s32 $0x800, s26;
	s14 =	sadd.s32 s1, s2  }
0x16: {  	s26 =	simm.s32 $0x40;
	s1 =	simm.s32 $0x8;
	s2 =	simm.s32 $0x0  }
.LBB2_1:
0x17: {  	s4 =	simm.s32 $0x0;
	s5 =	rddreg [dreg:$0x3]  }
0x18: {  	[tilespmem:s4], [sflag:$0xB] =	stream.linear.gather [hbm4b:s5+s4], $0x1900, $0x38;
	[tilespmem:$0xB900] =	vst v63  }
0x19: {  	_ =	swait.ge [sflag:s15], $0x1900  }
0x1a: {  	[sflag:s15] =	ssyncset.done $0x0  }
0x1b: {  	[sflag:s15] =	ssyncadd.s32 $0xFFFFE700  }
0x1c: {  	[tilespmem:s17], [sflag:$0x1] =	stream.indirect.gather [hbm4b:s3+s16], $0x40, s4, s16, $0xb8;
	[tilespmem:$0xB900] =	vst v63  }
0x1d: {  	_ = 	snop  }
0x1e: {  	[tilespmem:s18], [sflag:$0x2] =	stream.indirect.gather [hbm4b:s3+s16], $0x40, s16, s16, $0xb8;
	[tilespmem:$0xB900] =	vst v63  }
0x1f: {  	s9 =	simm.s32 $0x100  }
0x20: {  	[tilespmem:s20], [sflag:$0x3] =	stream.indirect.gather [hbm4b:s3+s16], $0x40, s9, s16, $0xb8;
	[tilespmem:$0xB900] =	vst v63  }
0x21: {  	s10 =	simm.s32 $0x180  }
0x22: {  	[tilespmem:s22], [sflag:$0x4] =	stream.indirect.gather [hbm4b:s3+s16], $0x40, s10, s16, $0xb8;
	[tilespmem:$0xB900] =	vst v63  }
0x23: {  	s5 =	simm.s32 $0x200  }
0x24: {  	[tilespmem:s24], [sflag:$0x5] =	stream.indirect.gather [hbm4b:s3+s16], $0x40, s5, s16, $0xb8;
	[tilespmem:$0xB900] =	vst v63  }
0x25: {  	_ =	swait.ge [sflag:s25], $0x2000  }
0x26: {  	[sflag:s25] =	ssyncset.done $0x0  }
0x27: {  	[sflag:s25] =	ssyncadd.s32 $0xFFFFE000  }
0x28: {  	[hbm4b:s14+s26] =	stream.strided.scatter [tilespmem:s17], [sflag:$0x6], $0x2000, s16, s26, $0x38;
	[tilespmem:$0xB900] =	vst v63  }
0x29: {  	_ =	swait.ge [sflag:s28], $0x2000  }
0x2a: {  	[sflag:s28] =	ssyncset.done $0x0  }
0x2b: {  	s6 =	simm.s32 $0x280;
	[sflag:s28] =	ssyncadd.s32 $0xFFFFE000  }
0x2c: {  	[tilespmem:s17], [sflag:$0x1] =	stream.indirect.gather [hbm4b:s3+s16], $0x40, s6, s16, $0xb8;
	[tilespmem:$0xB900] =	vst v63  }
0x2d: {  	_ =	swait.ge [sflag:s29], $0x2000  }
0x2e: {  	[sflag:s29] =	ssyncset.done $0x0  }
0x2f: {  	[sflag:s29] =	ssyncadd.s32 $0xFFFFE000  }
0x30: {  	[hbm4b:s13+s26] =	stream.strided.scatter [tilespmem:s18], [sflag:$0x7], $0x2000, s16, s26, $0x38;
	[tilespmem:$0xB900] =	vst v63  }
0x31: {  	_ =	swait.ge [sflag:s30], $0x2000  }
0x32: {  	[sflag:s30] =	ssyncset.done $0x0  }
0x33: {  	s7 =	simm.s32 $0x300;
	[sflag:s30] =	ssyncadd.s32 $0xFFFFE000  }
0x34: {  	[tilespmem:s18], [sflag:$0x2] =	stream.indirect.gather [hbm4b:s3+s16], $0x40, s7, s16, $0xb8;
	[tilespmem:$0xB900] =	vst v63  }
0x35: {  	_ =	swait.ge [sflag:s31], $0x2000  }
0x36: {  	[sflag:s31] =	ssyncset.done $0x0  }
0x37: {  	s8 =	sadd.s32 $0xFFFFF800, s12;
	[sflag:s31] =	ssyncadd.s32 $0xFFFFE000  }
0x38: {  	[hbm4b:s8+s26] =	stream.strided.scatter [tilespmem:s20], [sflag:$0x8], $0x2000, s16, s26, $0x38;
	[tilespmem:$0xB900] =	vst v63  }
0x39: {  	_ =	swait.ge [sflag:s1], $0x2000  }
0x3a: {  	[sflag:s1] =	ssyncset.done $0x0  }
0x3b: {  	s9 =	simm.s32 $0x380;
	[sflag:s1] =	ssyncadd.s32 $0xFFFFE000  }
0x3c: {  	[tilespmem:s20], [sflag:$0x3] =	stream.indirect.gather [hbm4b:s3+s16], $0x40, s9, s16, $0xb8;
	[tilespmem:$0xB900] =	vst v63  }
0x3d: {  	_ =	swait.ge [sflag:s0], $0x2000  }
0x3e: {  	[sflag:s0] =	ssyncset.done $0x0  }
0x3f: {  	[sflag:s0] =	ssyncadd.s32 $0xFFFFE000  }
0x40: {  	[hbm4b:s12+s26] =	stream.strided.scatter [tilespmem:s22], [sflag:$0x9], $0x2000, s16, s26, $0x38;
	[tilespmem:$0xB900] =	vst v63  }
0x41: {  	_ =	swait.ge [sflag:s19], $0x2000  }
0x42: {  	[sflag:s19] =	ssyncset.done $0x0  }
0x43: {  	s10 =	simm.s32 $0x400;
	[sflag:s19] =	ssyncadd.s32 $0xFFFFE000  }
0x44: {  	[tilespmem:s22], [sflag:$0x4] =	stream.indirect.gather [hbm4b:s3+s16], $0x40, s10, s16, $0xb8;
	[tilespmem:$0xB900] =	vst v63  }
0x45: {  	_ =	swait.ge [sflag:s21], $0x2000  }
0x46: {  	[sflag:s21] =	ssyncset.done $0x0  }
0x47: {  	[sflag:s21] =	ssyncadd.s32 $0xFFFFE000  }
0x48: {  	[hbm4b:s11+s26] =	stream.strided.scatter [tilespmem:s24], [sflag:$0xA], $0x2000, s16, s26, $0x38;
	[tilespmem:$0xB900] =	vst v63  }
0x49: {  	s4 =	simm.s32 $0xA00;
	s5 =	sadd.s32 $0x2800, s14;
	_ =	swait.ge [sflag:s23], $0x2000  }
0x4a: {  	s6 =	sadd.s32 $0x2800, s12;
	s7 =	sadd.s32 $0x2800, s13;
	[sflag:s23] =	ssyncset.done $0x0  }
0x4b: {  	s8 =	sadd.s32 $0x2800, s11;
	s9 =	simm.s32 $0x480;
	[sflag:s23] =	ssyncadd.s32 $0xFFFFE000  }
.LBB2_2:
0x4c: {  	[tilespmem:s24], [sflag:$0x5] =	stream.indirect.gather [hbm4b:s3+s16], $0x40, s9, s16, $0xb8;
	[tilespmem:$0xB900] =	vst v63  }
0x4d: {  	s9 =	smov.u32 s4  }
0x4e: {  	p0 =	sne.s32 s4, $0x5000;
	s4 =	sadd.s32 $0xA00, s4;
	_ =	swait.ge [sflag:s25], $0x2000  }
0x4f: {  	[sflag:s25] =	ssyncset.done $0x0  }
0x50: {  	[sflag:s25] =	ssyncadd.s32 $0xFFFFE000  }
0x51: {  	[hbm4b:s5+s26] =	stream.strided.scatter [tilespmem:s17], [sflag:$0x6], $0x2000, s16, s26, $0x38;
	[tilespmem:$0xB900] =	vst v63  }
0x52: {  	_ =	swait.ge [sflag:s28], $0x2000  }
0x53: {  	s9 =	sshra.s32 s9, $0x2;
	[sflag:s28] =	ssyncset.done $0x0  }
0x54: {  	s10 =	sadd.s32 $0x280, s9;
	[sflag:s28] =	ssyncadd.s32 $0xFFFFE000  }
0x55: {  	[tilespmem:s17], [sflag:$0x1] =	stream.indirect.gather [hbm4b:s3+s16], $0x40, s10, s16, $0xb8;
	[tilespmem:$0xB900] =	vst v63  }
0x56: {  	_ =	swait.ge [sflag:s29], $0x2000  }
0x57: {  	[sflag:s29] =	ssyncset.done $0x0  }
0x58: {  	[sflag:s29] =	ssyncadd.s32 $0xFFFFE000  }
0x59: {  	[hbm4b:s7+s26] =	stream.strided.scatter [tilespmem:s18], [sflag:$0x7], $0x2000, s16, s26, $0x38;
	[tilespmem:$0xB900] =	vst v63  }
0x5a: {  	_ =	swait.ge [sflag:s30], $0x2000  }
0x5b: {  	[sflag:s30] =	ssyncset.done $0x0  }
0x5c: {  	s10 =	sadd.s32 $0x300, s9;
	[sflag:s30] =	ssyncadd.s32 $0xFFFFE000  }
0x5d: {  	[tilespmem:s18], [sflag:$0x2] =	stream.indirect.gather [hbm4b:s3+s16], $0x40, s10, s16, $0xb8;
	[tilespmem:$0xB900] =	vst v63  }
0x5e: {  	_ =	swait.ge [sflag:s31], $0x2000  }
0x5f: {  	[sflag:s31] =	ssyncset.done $0x0  }
0x60: {  	s10 =	sadd.s32 $0xFFFFF800, s6;
	[sflag:s31] =	ssyncadd.s32 $0xFFFFE000  }
0x61: {  	[hbm4b:s10+s26] =	stream.strided.scatter [tilespmem:s20], [sflag:$0x8], $0x2000, s16, s26, $0x38;
	[tilespmem:$0xB900] =	vst v63  }
0x62: {  	_ =	swait.ge [sflag:s1], $0x2000  }
0x63: {  	[sflag:s1] =	ssyncset.done $0x0  }
0x64: {  	s10 =	sadd.s32 $0x380, s9;
	[sflag:s1] =	ssyncadd.s32 $0xFFFFE000  }
0x65: {  	[tilespmem:s20], [sflag:$0x3] =	stream.indirect.gather [hbm4b:s3+s16], $0x40, s10, s16, $0xb8;
	[tilespmem:$0xB900] =	vst v63  }
0x66: {  	_ =	swait.ge [sflag:s0], $0x2000  }
0x67: {  	[sflag:s0] =	ssyncset.done $0x0  }
0x68: {  	[sflag:s0] =	ssyncadd.s32 $0xFFFFE000  }
0x69: {  	[hbm4b:s6+s26] =	stream.strided.scatter [tilespmem:s22], [sflag:$0x9], $0x2000, s16, s26, $0x38;
	[tilespmem:$0xB900] =	vst v63  }
0x6a: {  	_ =	swait.ge [sflag:s19], $0x2000  }
0x6b: {  	[sflag:s19] =	ssyncset.done $0x0  }
0x6c: {  	s10 =	sadd.s32 $0x400, s9;
	[sflag:s19] =	ssyncadd.s32 $0xFFFFE000  }
0x6d: {  	[tilespmem:s22], [sflag:$0x4] =	stream.indirect.gather [hbm4b:s3+s16], $0x40, s10, s16, $0xb8;
	[tilespmem:$0xB900] =	vst v63  }
0x6e: {  	_ =	swait.ge [sflag:s21], $0x2000  }
0x6f: {  	[sflag:s21] =	ssyncset.done $0x0  }
.Ltmp0:
0x70: {  	[sflag:s21] =	ssyncadd.s32 $0xFFFFE000;
	(pc) =	sbr.rel @p0 .LBB2_2-.Ltmp0, $4  }
0x71: {  	[hbm4b:s8+s26] =	stream.strided.scatter [tilespmem:s24], [sflag:$0xA], $0x2000, s16, s26, $0x38;
	[tilespmem:$0xB900] =	vst v63  }
0x72: {  	s5 =	sadd.s32 $0x2800, s5;
	_ =	swait.ge [sflag:s23], $0x2000  }
0x73: {  	s7 =	sadd.s32 $0x2800, s7;
	s6 =	sadd.s32 $0x2800, s6;
	[sflag:s23] =	ssyncset.done $0x0  }
0x74: {  	s9 =	sadd.s32 $0x480, s9;
	s8 =	sadd.s32 $0x2800, s8;
	[sflag:s23] =	ssyncadd.s32 $0xFFFFE000  }
0x75: {  	[tilespmem:s24], [sflag:$0x5] =	stream.indirect.gather [hbm4b:s3+s16], $0x40, s9, s16, $0xb8;
	[tilespmem:$0xB900] =	vst v63  }
0x76: {  	_ =	swait.ge [sflag:s25], $0x2000  }
0x77: {  	[sflag:s25] =	ssyncset.done $0x0  }
0x78: {  	s4 =	rddreg [dreg:$0x4];
	[sflag:s25] =	ssyncadd.s32 $0xFFFFE000  }
0x79: {  	[hbm4b:s4+s26] =	stream.strided.scatter [tilespmem:s17], [sflag:$0x6], $0x2000, s16, s26, $0x38;
	[tilespmem:$0xB900] =	vst v63  }
0x7a: {  	_ =	swait.ge [sflag:s29], $0x2000  }
0x7b: {  	[sflag:s29] =	ssyncset.done $0x0  }
0x7c: {  	s6 =	rddreg [dreg:$0x5];
	[sflag:s29] =	ssyncadd.s32 $0xFFFFE000  }
0x7d: {  	[hbm4b:s6+s26] =	stream.strided.scatter [tilespmem:s18], [sflag:$0x7], $0x2000, s16, s26, $0x38;
	[tilespmem:$0xB900] =	vst v63  }
0x7e: {  	_ =	swait.ge [sflag:s31], $0x2000  }
0x7f: {  	[sflag:s31] =	ssyncset.done $0x0  }
0x80: {  	s7 =	rddreg [dreg:$0x6];
	[sflag:s31] =	ssyncadd.s32 $0xFFFFE000  }
0x81: {  	[hbm4b:s7+s26] =	stream.strided.scatter [tilespmem:s20], [sflag:$0x8], $0x2000, s16, s26, $0x38;
	[tilespmem:$0xB900] =	vst v63  }
0x82: {  	_ =	swait.ge [sflag:s0], $0x2000  }
0x83: {  	[sflag:s0] =	ssyncset.done $0x0  }
0x84: {  	s8 =	rddreg [dreg:$0x7];
	[sflag:s0] =	ssyncadd.s32 $0xFFFFE000  }
0x85: {  	[hbm4b:s8+s26] =	stream.strided.scatter [tilespmem:s22], [sflag:$0x9], $0x2000, s16, s26, $0x38;
	[tilespmem:$0xB900] =	vst v63  }
0x86: {  	_ =	swait.ge [sflag:s21], $0x2000  }
0x87: {  	[sflag:s21] =	ssyncset.done $0x0  }
0x88: {  	s9 =	rddreg [dreg:$0x8];
	[sflag:s21] =	ssyncadd.s32 $0xFFFFE000  }
0x89: {  	[hbm4b:s9+s26] =	stream.strided.scatter [tilespmem:s24], [sflag:$0xA], $0x2000, s16, s26, $0x38;
	[tilespmem:$0xB900] =	vst v63  }
0x8a: {  	_ =	swait.ge [sflag:s28], $0x2000  }
0x8b: {  	[sflag:s28] =	ssyncset.done $0x0  }
0x8c: {  	[sflag:s28] =	ssyncadd.s32 $0xFFFFE000  }
0x8d: {  	_ =	swait.ge [sflag:s30], $0x2000  }
0x8e: {  	[sflag:s30] =	ssyncset.done $0x0  }
0x8f: {  	[sflag:s30] =	ssyncadd.s32 $0xFFFFE000  }
0x90: {  	_ =	swait.ge [sflag:s1], $0x2000  }
0x91: {  	[sflag:s1] =	ssyncset.done $0x0  }
0x92: {  	[sflag:s1] =	ssyncadd.s32 $0xFFFFE000  }
0x93: {  	_ =	swait.ge [sflag:s19], $0x2000  }
0x94: {  	[sflag:s19] =	ssyncset.done $0x0  }
0x95: {  	[sflag:s19] =	ssyncadd.s32 $0xFFFFE000  }
0x96: {  	_ =	swait.ge [sflag:s23], $0x2000  }
0x97: {  	s2 =	sadd.s32 $0x1, s2;
	s10 =	rddreg [dreg:$0x9]  }
0x98: {  	p0 =	sne.s32 s2, s10  }
.Ltmp1:
0x99: {  	_ = 	snop;
	(pc) =	sbr.rel @p0 .LBB2_1-.Ltmp1, $3  }
0x9a: {  	_ =	sdelay $0x1  }
0x9b: {  	[sflag:s23] =	ssyncset.done $0x0  }
0x9c: {  	[sflag:s23] =	ssyncadd.s32 $0xFFFFE000  }
0x9d: {  	_ =	sfence.sel $0x180000  }
0x9e: {  	[bflag:$0x0] =	sbarrier.arrive $0xFFFF  }
0x9f: {  	_ =	strace $0x90000047  }
0xa0: {  	s0 =	stileid.u32;
	[bflag:$0x2] =	sbarrier.arrive $0xFFFF  }
0xa1: {  	p0 =	sne.s32 s0, $0x0;
	s0 =	rddreg [dreg:$0x2]  }
0xa2: {  	s0 =	sadd.s32 @!p0 $0x100000, s0  }
0xa3: {  	[sflag:s0] =	ssyncadd.tile.s32 @!p0 $0x1;
	_ =	shalt  }
.Lfunc_end2:
_tile_overlayer_lowered:
.L_overlay_start_2:
0xa4: {  	(tag) =	ssettag $0x2  }
0xa5: {  	s0 =	rddreg [dreg:$0x0];
	s2 =	stileid.u32  }
0xa6: {  	s1 =	rddreg [dreg:$0x1];
	p0 =	sne.s32 s2, $0x0  }
0xa7: {  	s3 =	rddreg [dreg:$0x2];
	[bflag:$0x3] =	sbarrier.arrive $0xFFFF;
	s2 =	simm.s32 @!p0 $0x1C0B  }
0xa8: {  	[timem:s3], [sflag:s2] =	dma.local @!p0 [hbm:s0], s1  }
0xa9: {  	s0 =	simm.s32 @!p0 $0xB  }
0xaa: {  	_ =	swait.ge @!p0 [sflag:s0], s1  }
0xab: {  	s1 =	ssub.s32 @!p0 $0x0, s1;
	[sflag:s0] =	ssyncset.done @!p0 $0x0  }
0xac: {  	[sflag:s0] =	ssyncadd.s32 @!p0 s1  }
0xad: {  	[bflag:$0x3] =	sbarrier.arrive $0xFFFF  }
0xae: {  	_ =	shalt  }

</sc_bundles>
